<compile_context>
chip_gen: v7x
topology: tpu7x:2x2x1
jax: 0.10.2.dev20260603
libtpu: 0.0.44.dev20260713+nightly
codegen_flags: <defaults>
</compile_context>

<pallas_src>
import functools

import jax
import jax.numpy as jnp
from jax import lax
from jax.experimental import pallas as pl
from jax.experimental.pallas import tpu as pltpu
from jax.experimental.pallas import tpu_sc as plsc

N = 10000
E = 320000
D = 128

NC = 2
NS = 16
NW = NC * NS

NP = 10240
RPT = NP // NS
C = 128
EPAD = 323584
NCHUNK = EPAD // (NW * C)
EPP = NCHUNK * C



@functools.lru_cache(maxsize=None)
def _sc_kernels():
    mesh = plsc.VectorSubcoreMesh(core_axis_name="c", subcore_axis_name="s",
                                  num_cores=NC, num_subcores=NS)

    @functools.partial(
        pl.kernel,
        out_type=jax.ShapeDtypeStruct((4, NP), jnp.float32),
        mesh=mesh,
        scratch_types=[
            pltpu.VMEM((NCHUNK, C), jnp.int32),
            pltpu.VMEM((NCHUNK, C), jnp.int32),
            pltpu.VMEM((C,), jnp.float32),
            pltpu.VMEM_SHARED((NP,), jnp.float32),
            pltpu.VMEM_SHARED((NP,), jnp.float32),
        ],
    )
    def deg_kernel(src_hbm, dst_hbm, zero1_hbm, out_hbm, idx_s, idx_d, ones_v,
                   dego_sp, degi_sp):
        cid = lax.axis_index("c")
        sid = lax.axis_index("s")
        wid = sid * NC + cid

        for i in range(C // 16):
            ones_v[pl.ds(i * 16, 16)] = jnp.ones((16,), jnp.float32)

        pltpu.sync_copy(zero1_hbm.at[pl.ds(sid * RPT, RPT)],
                        dego_sp.at[pl.ds(sid * RPT, RPT)])
        pltpu.sync_copy(zero1_hbm.at[pl.ds(sid * RPT, RPT)],
                        degi_sp.at[pl.ds(sid * RPT, RPT)])
        pltpu.sync_copy(src_hbm.at[wid], idx_s)
        pltpu.sync_copy(dst_hbm.at[wid], idx_d)
        plsc.subcore_barrier()

        def chunk(g, carry):
            pltpu.sync_copy(ones_v, dego_sp.at[idx_s.at[g]], add=True)
            pltpu.sync_copy(ones_v, degi_sp.at[idx_d.at[g]], add=True)
            return carry

        lax.fori_loop(0, NCHUNK, chunk, 0)
        plsc.subcore_barrier()

        pltpu.sync_copy(dego_sp.at[pl.ds(sid * RPT, RPT)],
                        out_hbm.at[2 * cid, pl.ds(sid * RPT, RPT)])
        pltpu.sync_copy(degi_sp.at[pl.ds(sid * RPT, RPT)],
                        out_hbm.at[2 * cid + 1, pl.ds(sid * RPT, RPT)])

    @functools.partial(
        pl.kernel,
        out_type=jax.ShapeDtypeStruct((NC, NP, D), jnp.float32),
        mesh=mesh,
        scratch_types=[
            pltpu.VMEM((NCHUNK, C), jnp.int32),
            pltpu.VMEM((NCHUNK, C), jnp.int32),
            pltpu.VMEM((C, D), jnp.float32),
            pltpu.VMEM_SHARED((NP, D), jnp.float32),
            pltpu.SemaphoreType.DMA,
        ],
    )
    def msg_kernel(t_hbm, src_hbm, dst_hbm, zero_hbm, out_hbm, idx_s, idx_d,
                   rows, agg_sp, gsem):
        cid = lax.axis_index("c")
        sid = lax.axis_index("s")
        wid = sid * NC + cid

        pltpu.sync_copy(zero_hbm.at[pl.ds(sid * RPT, RPT)],
                        agg_sp.at[pl.ds(sid * RPT, RPT)])
        pltpu.sync_copy(src_hbm.at[wid], idx_s)
        pltpu.sync_copy(dst_hbm.at[wid], idx_d)
        plsc.subcore_barrier()

        def chunk(g, carry):
            pltpu.async_copy(t_hbm.at[idx_s.at[g]], rows, gsem).wait()
            pltpu.sync_copy(rows, agg_sp.at[idx_d.at[g]], add=True)
            return carry

        lax.fori_loop(0, NCHUNK, chunk, 0)
        plsc.subcore_barrier()

        pltpu.sync_copy(agg_sp.at[pl.ds(sid * RPT, RPT)],
                        out_hbm.at[cid, pl.ds(sid * RPT, RPT)])

    return deg_kernel, msg_kernel



_BLK = 1024


def _prep_body(x_ref, deg_ref, t1_ref, ro_ref, ri_ref):
    d_out = deg_ref[0, :] + deg_ref[2, :]
    d_in = deg_ref[1, :] + deg_ref[3, :]
    ro = lax.rsqrt(jnp.maximum(d_out, 1.0))[:, None]
    ri = lax.rsqrt(jnp.maximum(d_in, 1.0))[:, None]
    ro_ref[...] = ro
    ri_ref[...] = ri
    t1_ref[...] = x_ref[...] * ro


def _prep(x_pad, deg):
    return pl.pallas_call(
        _prep_body,
        grid=(NP // _BLK,),
        in_specs=[
            pl.BlockSpec((_BLK, D), lambda i: (i, 0)),
            pl.BlockSpec((4, _BLK), lambda i: (0, i)),
        ],
        out_specs=[
            pl.BlockSpec((_BLK, D), lambda i: (i, 0)),
            pl.BlockSpec((_BLK, 1), lambda i: (i, 0)),
            pl.BlockSpec((_BLK, 1), lambda i: (i, 0)),
        ],
        out_shape=[
            jax.ShapeDtypeStruct((NP, D), jnp.float32),
            jax.ShapeDtypeStruct((NP, 1), jnp.float32),
            jax.ShapeDtypeStruct((NP, 1), jnp.float32),
        ],
    )(x_pad, deg)


def _layer_body(relu, post_scale, agg_ref, ri_ref, ro_ref, w_ref, b_ref,
                out_ref):
    a = (agg_ref[0] + agg_ref[1]) * ri_ref[...]
    y = jnp.dot(a, w_ref[...], preferred_element_type=jnp.float32)
    y = y + b_ref[...]
    if relu:
        y = jnp.maximum(y, 0.0)
    if post_scale:
        y = y * ro_ref[...]
    out_ref[...] = y


def _layer(agg, ri, ro, w, b, relu, post_scale):
    return pl.pallas_call(
        functools.partial(_layer_body, relu, post_scale),
        grid=(NP // _BLK,),
        in_specs=[
            pl.BlockSpec((NC, _BLK, D), lambda i: (0, i, 0)),
            pl.BlockSpec((_BLK, 1), lambda i: (i, 0)),
            pl.BlockSpec((_BLK, 1), lambda i: (i, 0)),
            pl.BlockSpec((D, D), lambda i: (0, 0)),
            pl.BlockSpec((1, D), lambda i: (0, 0)),
        ],
        out_specs=pl.BlockSpec((_BLK, D), lambda i: (i, 0)),
        out_shape=jax.ShapeDtypeStruct((NP, D), jnp.float32),
    )(agg, ri, ro, w, b.reshape(1, D))



def kernel(x, edge_index, W1, b1, W2, b2):
    src = edge_index[0].astype(jnp.int32)
    dst = edge_index[1].astype(jnp.int32)

    pad = EPAD - E
    src_p = jnp.concatenate([src, jnp.zeros((pad,), jnp.int32)])
    dst_p = jnp.concatenate(
        [dst, N + (jnp.arange(pad, dtype=jnp.int32) % (NP - N))])
    src_r = src_p.reshape(NW, NCHUNK, C)
    dst_r = dst_p.reshape(NW, NCHUNK, C)

    x_pad = jnp.pad(x, ((0, NP - N), (0, 0)))
    zero2 = jnp.zeros((NP, D), jnp.float32)
    zero1 = jnp.zeros((NP,), jnp.float32)

    deg_kernel, msg_kernel = _sc_kernels()
    deg = deg_kernel(src_r, dst_r, zero1)
    t1, ro, ri = _prep(x_pad, deg)
    agg1 = msg_kernel(t1, src_r, dst_r, zero2)
    t2 = _layer(agg1, ri, ro, W1, b1, relu=True, post_scale=True)
    agg2 = msg_kernel(t2, src_r, dst_r, zero2)
    out = _layer(agg2, ri, ro, W2, b2, relu=False, post_scale=False)
    return out[:N]

# --- scband reference (transcript-rebuilt; emitter-appended) ---
"""Pipeline reference for scband-gcnfeat-87282325390024 (READ-ONLY COPY).

The authoritative reference and input builder live on the scoring server;
editing this copy changes nothing except your own understanding.
"""

import jax, jax.numpy as jnp
import numpy as np

N = 10000
E = 320000
D = 128


def setup_inputs(seed: int = 0) -> dict:
    key = jax.random.key(seed)
    k1, k2, k3, k4, k5, k6 = jax.random.split(key, 6)
    x = jax.random.normal(k1, (N, D), dtype=jnp.float32)
    edge_index = jax.random.randint(k2, (2, E), 0, N)
    s = 1.0 / np.sqrt(D)
    W1 = jax.random.uniform(k3, (D, D), dtype=jnp.float32, minval=-s, maxval=s)
    b1 = jnp.zeros((D,), dtype=jnp.float32)
    W2 = jax.random.uniform(k4, (D, D), dtype=jnp.float32, minval=-s, maxval=s)
    b2 = jnp.zeros((D,), dtype=jnp.float32)
    return {"x": x, "edge_index": edge_index, "W1": W1, "b1": b1, "W2": W2, "b2": b2}


def _graph_conv_both(h, src, dst, W, b):
    # DGL GraphConv with norm='both': D_out^{-1/2} applied to src feats,
    # sum-aggregate over edges, D_in^{-1/2} applied to dst, then linear.
    deg_out = jnp.clip(jnp.bincount(src, length=N), 1).astype(h.dtype)
    deg_in = jnp.clip(jnp.bincount(dst, length=N), 1).astype(h.dtype)
    h = h * jax.lax.rsqrt(deg_out)[:, None]
    msgs = jnp.take(h, src, axis=0)
    agg = jnp.zeros((N, h.shape[1]), dtype=h.dtype).at[dst].add(msgs)
    agg = agg * jax.lax.rsqrt(deg_in)[:, None]
    return agg @ W + b


def reference(x, edge_index, W1, b1, W2, b2):
    src = edge_index[0]
    dst = edge_index[1]
    h = _graph_conv_both(x, src, dst, W1, b1)
    h = jax.nn.relu(h)  # dropout is identity in eval mode
    h = _graph_conv_both(h, src, dst, W2, b2)
    return h

if __name__ == "__main__":
    import jax
    _d = setup_inputs()
    print(jax.jit(kernel)(*tuple(_d.values())))

</pallas_src>

<mosaic_0001>
#map = affine_map<(d0, d1) -> (0, 0)>
#map1 = affine_map<(d0, d1) -> (0, 0, 0)>
module attributes {stable_mosaic.version = 14 : i64} {
  func.func @msg_kernel(%arg0: i32, %arg1: i32, %arg2: memref<10240x128xf32, #tpu.memory_space<hbm>>, %arg3: memref<32x79x128xi32, #tpu.memory_space<hbm>>, %arg4: memref<32x79x128xi32, #tpu.memory_space<hbm>>, %arg5: memref<10240x128xf32, #tpu.memory_space<hbm>>, %arg6: memref<2x10240x128xf32, #tpu.memory_space<hbm>>, %arg7: memref<79x128xi32, #tpu.memory_space<vmem>>, %arg8: memref<79x128xi32, #tpu.memory_space<vmem>>, %arg9: memref<128x128xf32, #tpu.memory_space<vmem>>, %arg10: memref<10240x128xf32, #tpu.memory_space<vmem_shared>>, %arg11: memref<!tpu.dma_semaphore, #tpu.memory_space<semaphore_mem>>) attributes {dimension_semantics = [#tpu.dimension_semantics<core_parallel>, #tpu.dimension_semantics<subcore_parallel>], iteration_bounds = array<i64: 2, 16>, scalar_prefetch = 0 : i64, scratch_operands = 5 : i64, tpu.core_type = #tpu.core_type<sc_vector_subcore>, window_params = [{transform_indices = #map}, {transform_indices = #map1}, {transform_indices = #map1}, {transform_indices = #map}, {transform_indices = #map1}]} {
    %mul3A = arith.constant 2 : i32
    %mul3A_0 = arith.muli %arg1, %mul3A : i32
    %add3A = arith.addi %mul3A_0, %arg0 : i32
    %mul3A_1 = arith.constant 640 : i32
    %mul3A_2 = arith.muli %arg1, %mul3A_1 : i32
    %mul3A_3 = arith.constant 640 : i32
    %mul3A_4 = arith.muli %arg1, %mul3A_3 : i32
    "tpu.region"() ({
      %run_scoped3A = tpu.sem_alloc : memref<!tpu.dma_semaphore, #tpu.memory_space<semaphore_mem>>
      %dma_start3A = arith.constant 0 : i32
      %dma_start3A_15 = tpu.memref_slice %arg10[%mul3A_4, %dma_start3A] : memref<10240x128xf32, #tpu.memory_space<vmem_shared>> -> memref<640x128xf32, #tpu.memory_space<vmem_shared>>
      %dma_start3A_16 = arith.constant 0 : i32
      %dma_start3A_17 = tpu.memref_slice %arg5[%mul3A_2, %dma_start3A_16] : memref<10240x128xf32, #tpu.memory_space<hbm>> -> memref<640x128xf32, #tpu.memory_space<hbm>>
      tpu.enqueue_dma source(%dma_start3A_17 : memref<640x128xf32, #tpu.memory_space<hbm>>) target(%dma_start3A_15 : memref<640x128xf32, #tpu.memory_space<vmem_shared>>) target_semaphore(%run_scoped3A : memref<!tpu.dma_semaphore, #tpu.memory_space<semaphore_mem>>)
      %dma_wait3A = arith.constant 0 : i32
      %dma_wait3A_18 = tpu.memref_slice %arg10[%mul3A_4, %dma_wait3A] : memref<10240x128xf32, #tpu.memory_space<vmem_shared>> -> memref<640x128xf32, #tpu.memory_space<vmem_shared>>
      %dma_wait3A_19 = arith.constant 0 : i32
      %dma_wait3A_20 = tpu.memref_slice %arg5[%mul3A_2, %dma_wait3A_19] : memref<10240x128xf32, #tpu.memory_space<hbm>> -> memref<640x128xf32, #tpu.memory_space<hbm>>
      tpu.wait_dma2 semaphore(%run_scoped3A : memref<!tpu.dma_semaphore, #tpu.memory_space<semaphore_mem>>) src(%dma_wait3A_20 : memref<640x128xf32, #tpu.memory_space<hbm>>) dst(%dma_wait3A_18 : memref<640x128xf32, #tpu.memory_space<vmem_shared>>)
      tpu.yield
    }) : () -> ()
    "tpu.region"() ({
      %run_scoped3A = tpu.sem_alloc : memref<!tpu.dma_semaphore, #tpu.memory_space<semaphore_mem>>
      %dma_start3A = arith.constant 0 : i32
      %dma_start3A_15 = arith.constant 0 : i32
      %dma_start3A_16 = tpu.memref_slice %arg3[%add3A, %dma_start3A, %dma_start3A_15] : memref<32x79x128xi32, #tpu.memory_space<hbm>> -> memref<1x79x128xi32, #tpu.memory_space<hbm>>
      %dma_start3A_17 = tpu.memref_squeeze %dma_start3A_16 : memref<1x79x128xi32, #tpu.memory_space<hbm>> -> memref<79x128xi32, #tpu.memory_space<hbm>>
      %dma_start3A_18 = arith.constant 0 : i32
      %dma_start3A_19 = arith.constant 0 : i32
      %dma_start3A_20 = tpu.memref_slice %arg3[%add3A, %dma_start3A_18, %dma_start3A_19] : memref<32x79x128xi32, #tpu.memory_space<hbm>> -> memref<1x79x128xi32, #tpu.memory_space<hbm>>
      %dma_start3A_21 = tpu.memref_squeeze %dma_start3A_20 : memref<1x79x128xi32, #tpu.memory_space<hbm>> -> memref<79x128xi32, #tpu.memory_space<hbm>>
      tpu.enqueue_dma source(%dma_start3A_21 : memref<79x128xi32, #tpu.memory_space<hbm>>) target(%arg7 : memref<79x128xi32, #tpu.memory_space<vmem>>) target_semaphore(%run_scoped3A : memref<!tpu.dma_semaphore, #tpu.memory_space<semaphore_mem>>)
      %dma_wait3A = arith.constant 0 : i32
      %dma_wait3A_22 = arith.constant 0 : i32
      %dma_wait3A_23 = tpu.memref_slice %arg3[%add3A, %dma_wait3A, %dma_wait3A_22] : memref<32x79x128xi32, #tpu.memory_space<hbm>> -> memref<1x79x128xi32, #tpu.memory_space<hbm>>
      %dma_wait3A_24 = tpu.memref_squeeze %dma_wait3A_23 : memref<1x79x128xi32, #tpu.memory_space<hbm>> -> memref<79x128xi32, #tpu.memory_space<hbm>>
      %dma_wait3A_25 = arith.constant 0 : i32
      %dma_wait3A_26 = arith.constant 0 : i32
      %dma_wait3A_27 = tpu.memref_slice %arg3[%add3A, %dma_wait3A_25, %dma_wait3A_26] : memref<32x79x128xi32, #tpu.memory_space<hbm>> -> memref<1x79x128xi32, #tpu.memory_space<hbm>>
      %dma_wait3A_28 = tpu.memref_squeeze %dma_wait3A_27 : memref<1x79x128xi32, #tpu.memory_space<hbm>> -> memref<79x128xi32, #tpu.memory_space<hbm>>
      tpu.wait_dma2 semaphore(%run_scoped3A : memref<!tpu.dma_semaphore, #tpu.memory_space<semaphore_mem>>) src(%dma_wait3A_28 : memref<79x128xi32, #tpu.memory_space<hbm>>) dst(%arg7 : memref<79x128xi32, #tpu.memory_space<vmem>>)
      tpu.yield
    }) : () -> ()
    "tpu.region"() ({
      %run_scoped3A = tpu.sem_alloc : memref<!tpu.dma_semaphore, #tpu.memory_space<semaphore_mem>>
      %dma_start3A = arith.constant 0 : i32
      %dma_start3A_15 = arith.constant 0 : i32
      %dma_start3A_16 = tpu.memref_slice %arg4[%add3A, %dma_start3A, %dma_start3A_15] : memref<32x79x128xi32, #tpu.memory_space<hbm>> -> memref<1x79x128xi32, #tpu.memory_space<hbm>>
      %dma_start3A_17 = tpu.memref_squeeze %dma_start3A_16 : memref<1x79x128xi32, #tpu.memory_space<hbm>> -> memref<79x128xi32, #tpu.memory_space<hbm>>
      %dma_start3A_18 = arith.constant 0 : i32
      %dma_start3A_19 = arith.constant 0 : i32
      %dma_start3A_20 = tpu.memref_slice %arg4[%add3A, %dma_start3A_18, %dma_start3A_19] : memref<32x79x128xi32, #tpu.memory_space<hbm>> -> memref<1x79x128xi32, #tpu.memory_space<hbm>>
      %dma_start3A_21 = tpu.memref_squeeze %dma_start3A_20 : memref<1x79x128xi32, #tpu.memory_space<hbm>> -> memref<79x128xi32, #tpu.memory_space<hbm>>
      tpu.enqueue_dma source(%dma_start3A_21 : memref<79x128xi32, #tpu.memory_space<hbm>>) target(%arg8 : memref<79x128xi32, #tpu.memory_space<vmem>>) target_semaphore(%run_scoped3A : memref<!tpu.dma_semaphore, #tpu.memory_space<semaphore_mem>>)
      %dma_wait3A = arith.constant 0 : i32
      %dma_wait3A_22 = arith.constant 0 : i32
      %dma_wait3A_23 = tpu.memref_slice %arg4[%add3A, %dma_wait3A, %dma_wait3A_22] : memref<32x79x128xi32, #tpu.memory_space<hbm>> -> memref<1x79x128xi32, #tpu.memory_space<hbm>>
      %dma_wait3A_24 = tpu.memref_squeeze %dma_wait3A_23 : memref<1x79x128xi32, #tpu.memory_space<hbm>> -> memref<79x128xi32, #tpu.memory_space<hbm>>
      %dma_wait3A_25 = arith.constant 0 : i32
      %dma_wait3A_26 = arith.constant 0 : i32
      %dma_wait3A_27 = tpu.memref_slice %arg4[%add3A, %dma_wait3A_25, %dma_wait3A_26] : memref<32x79x128xi32, #tpu.memory_space<hbm>> -> memref<1x79x128xi32, #tpu.memory_space<hbm>>
      %dma_wait3A_28 = tpu.memref_squeeze %dma_wait3A_27 : memref<1x79x128xi32, #tpu.memory_space<hbm>> -> memref<79x128xi32, #tpu.memory_space<hbm>>
      tpu.wait_dma2 semaphore(%run_scoped3A : memref<!tpu.dma_semaphore, #tpu.memory_space<semaphore_mem>>) src(%dma_wait3A_28 : memref<79x128xi32, #tpu.memory_space<hbm>>) dst(%arg8 : memref<79x128xi32, #tpu.memory_space<vmem>>)
      tpu.yield
    }) : () -> ()
    %barrier3A = arith.constant 0 : index
    tpu.barrier barrier_id(%barrier3A)
    %scan3A = arith.constant 0 : i32
    %scan3A_5 = arith.constant 0 : i32
    %scan3A_6 = arith.constant 79 : i32
    %scan3A_7 = arith.addi %scan3A_5, %scan3A_6 : i32
    %scan3A_8 = arith.constant 1 : i32
    scf.for %scan3A_15 = %scan3A_5 to %scan3A_7 step %scan3A_8  : i32 {
      %dma_start3A = arith.constant 0 : i32
      %dma_start3A_16 = tpu.memref_slice %arg7[%scan3A_15, %dma_start3A] : memref<79x128xi32, #tpu.memory_space<vmem>> -> memref<1x128xi32, #tpu.memory_space<vmem>>
      %dma_start3A_17 = tpu.memref_squeeze %dma_start3A_16 : memref<1x128xi32, #tpu.memory_space<vmem>> -> memref<128xi32, #tpu.memory_space<vmem>>
      %dma_start3A_18 = arith.constant 0 : i32
      %dma_start3A_19 = arith.constant 0 : i32
      %dma_start3A_20 = tpu.memref_slice %arg2[%dma_start3A_18, %dma_start3A_19] : memref<10240x128xf32, #tpu.memory_space<hbm>> -> memref<10240x128xf32, #tpu.memory_space<hbm>>
      tpu.enqueue_indirect_dma source(%dma_start3A_20 : memref<10240x128xf32, #tpu.memory_space<hbm>>) target(%arg9 : memref<128x128xf32, #tpu.memory_space<vmem>>) offsets(%dma_start3A_17 : memref<128xi32, #tpu.memory_space<vmem>>) semaphore(%arg11 : memref<!tpu.dma_semaphore, #tpu.memory_space<semaphore_mem>>)
      %dma_wait3A = arith.constant 0 : i32
      %dma_wait3A_21 = tpu.memref_slice %arg7[%scan3A_15, %dma_wait3A] : memref<79x128xi32, #tpu.memory_space<vmem>> -> memref<1x128xi32, #tpu.memory_space<vmem>>
      %dma_wait3A_22 = tpu.memref_squeeze %dma_wait3A_21 : memref<1x128xi32, #tpu.memory_space<vmem>> -> memref<128xi32, #tpu.memory_space<vmem>>
      %dma_wait3A_23 = arith.constant 0 : i32
      %dma_wait3A_24 = arith.constant 0 : i32
      %dma_wait3A_25 = tpu.memref_slice %arg2[%dma_wait3A_23, %dma_wait3A_24] : memref<10240x128xf32, #tpu.memory_space<hbm>> -> memref<10240x128xf32, #tpu.memory_space<hbm>>
      tpu.wait_indirect_dma semaphore(%arg11 : memref<!tpu.dma_semaphore, #tpu.memory_space<semaphore_mem>>) src(%dma_wait3A_25 : memref<10240x128xf32, #tpu.memory_space<hbm>>) dst(%arg9 : memref<128x128xf32, #tpu.memory_space<vmem>>)
      "tpu.region"() ({
        %run_scoped3A = tpu.sem_alloc : memref<!tpu.dma_semaphore, #tpu.memory_space<semaphore_mem>>
        %dma_start3A_26 = arith.constant 0 : i32
        %dma_start3A_27 = tpu.memref_slice %arg8[%scan3A_15, %dma_start3A_26] : memref<79x128xi32, #tpu.memory_space<vmem>> -> memref<1x128xi32, #tpu.memory_space<vmem>>
        %dma_start3A_28 = tpu.memref_squeeze %dma_start3A_27 : memref<1x128xi32, #tpu.memory_space<vmem>> -> memref<128xi32, #tpu.memory_space<vmem>>
        %dma_start3A_29 = arith.constant 0 : i32
        %dma_start3A_30 = arith.constant 0 : i32
        %dma_start3A_31 = tpu.memref_slice %arg10[%dma_start3A_29, %dma_start3A_30] : memref<10240x128xf32, #tpu.memory_space<vmem_shared>> -> memref<10240x128xf32, #tpu.memory_space<vmem_shared>>
        tpu.enqueue_indirect_dma source(%arg9 : memref<128x128xf32, #tpu.memory_space<vmem>>) target(%dma_start3A_31 : memref<10240x128xf32, #tpu.memory_space<vmem_shared>>) offsets(%dma_start3A_28 : memref<128xi32, #tpu.memory_space<vmem>>) semaphore(%run_scoped3A : memref<!tpu.dma_semaphore, #tpu.memory_space<semaphore_mem>>) {add = true}
        %dma_wait3A_32 = arith.constant 0 : i32
        %dma_wait3A_33 = tpu.memref_slice %arg8[%scan3A_15, %dma_wait3A_32] : memref<79x128xi32, #tpu.memory_space<vmem>> -> memref<1x128xi32, #tpu.memory_space<vmem>>
        %dma_wait3A_34 = tpu.memref_squeeze %dma_wait3A_33 : memref<1x128xi32, #tpu.memory_space<vmem>> -> memref<128xi32, #tpu.memory_space<vmem>>
        %dma_wait3A_35 = arith.constant 0 : i32
        %dma_wait3A_36 = arith.constant 0 : i32
        %dma_wait3A_37 = tpu.memref_slice %arg10[%dma_wait3A_35, %dma_wait3A_36] : memref<10240x128xf32, #tpu.memory_space<vmem_shared>> -> memref<10240x128xf32, #tpu.memory_space<vmem_shared>>
        tpu.wait_indirect_dma semaphore(%run_scoped3A : memref<!tpu.dma_semaphore, #tpu.memory_space<semaphore_mem>>) src(%arg9 : memref<128x128xf32, #tpu.memory_space<vmem>>) dst(%dma_wait3A_37 : memref<10240x128xf32, #tpu.memory_space<vmem_shared>>)
        tpu.yield
      }) : () -> ()
    }
    %scan3A_9 = arith.constant 79 : i32
    %barrier3A_10 = arith.constant 0 : index
    tpu.barrier barrier_id(%barrier3A_10)
    %mul3A_11 = arith.constant 640 : i32
    %mul3A_12 = arith.muli %arg1, %mul3A_11 : i32
    %mul3A_13 = arith.constant 640 : i32
    %mul3A_14 = arith.muli %arg1, %mul3A_13 : i32
    "tpu.region"() ({
      %run_scoped3A = tpu.sem_alloc : memref<!tpu.dma_semaphore, #tpu.memory_space<semaphore_mem>>
      %dma_start3A = arith.constant 0 : i32
      %dma_start3A_15 = tpu.memref_slice %arg6[%arg0, %mul3A_14, %dma_start3A] : memref<2x10240x128xf32, #tpu.memory_space<hbm>> -> memref<1x640x128xf32, #tpu.memory_space<hbm>>
      %dma_start3A_16 = tpu.memref_squeeze %dma_start3A_15 : memref<1x640x128xf32, #tpu.memory_space<hbm>> -> memref<640x128xf32, #tpu.memory_space<hbm>>
      %dma_start3A_17 = arith.constant 0 : i32
      %dma_start3A_18 = tpu.memref_slice %arg10[%mul3A_12, %dma_start3A_17] : memref<10240x128xf32, #tpu.memory_space<vmem_shared>> -> memref<640x128xf32, #tpu.memory_space<vmem_shared>>
      tpu.enqueue_dma source(%dma_start3A_18 : memref<640x128xf32, #tpu.memory_space<vmem_shared>>) target(%dma_start3A_16 : memref<640x128xf32, #tpu.memory_space<hbm>>) target_semaphore(%run_scoped3A : memref<!tpu.dma_semaphore, #tpu.memory_space<semaphore_mem>>)
      %dma_wait3A = arith.constant 0 : i32
      %dma_wait3A_19 = tpu.memref_slice %arg6[%arg0, %mul3A_14, %dma_wait3A] : memref<2x10240x128xf32, #tpu.memory_space<hbm>> -> memref<1x640x128xf32, #tpu.memory_space<hbm>>
      %dma_wait3A_20 = tpu.memref_squeeze %dma_wait3A_19 : memref<1x640x128xf32, #tpu.memory_space<hbm>> -> memref<640x128xf32, #tpu.memory_space<hbm>>
      %dma_wait3A_21 = arith.constant 0 : i32
      %dma_wait3A_22 = tpu.memref_slice %arg10[%mul3A_12, %dma_wait3A_21] : memref<10240x128xf32, #tpu.memory_space<vmem_shared>> -> memref<640x128xf32, #tpu.memory_space<vmem_shared>>
      tpu.wait_dma2 semaphore(%run_scoped3A : memref<!tpu.dma_semaphore, #tpu.memory_space<semaphore_mem>>) src(%dma_wait3A_22 : memref<640x128xf32, #tpu.memory_space<vmem_shared>>) dst(%dma_wait3A_20 : memref<640x128xf32, #tpu.memory_space<hbm>>)
      tpu.yield
    }) : () -> ()
    return
  }
}

#map = affine_map<(d0, d1) -> (0, 0)>
#map1 = affine_map<(d0, d1) -> (0, 0, 0)>
module attributes {stable_mosaic.version = 14 : i64} {
  func.func @msg_kernel(%arg0: i32, %arg1: i32, %arg2: memref<10240x128xf32, #tpu.memory_space<hbm>>, %arg3: memref<32x79x128xi32, #tpu.memory_space<hbm>>, %arg4: memref<32x79x128xi32, #tpu.memory_space<hbm>>, %arg5: memref<10240x128xf32, #tpu.memory_space<hbm>>, %arg6: memref<2x10240x128xf32, #tpu.memory_space<hbm>>, %arg7: memref<79x128xi32, #tpu.memory_space<vmem>>, %arg8: memref<79x128xi32, #tpu.memory_space<vmem>>, %arg9: memref<128x128xf32, #tpu.memory_space<vmem>>, %arg10: memref<10240x128xf32, #tpu.memory_space<vmem_shared>>, %arg11: memref<!tpu.dma_semaphore, #tpu.memory_space<semaphore_mem>>) attributes {dimension_semantics = [#tpu.dimension_semantics<core_parallel>, #tpu.dimension_semantics<subcore_parallel>], iteration_bounds = array<i64: 2, 16>, scalar_prefetch = 0 : i64, scratch_operands = 5 : i64, tpu.core_type = #tpu.core_type<sc_vector_subcore>, window_params = [{transform_indices = #map}, {transform_indices = #map1}, {transform_indices = #map1}, {transform_indices = #map}, {transform_indices = #map1}]} {
    %mul3A = arith.constant 2 : i32
    %mul3A_0 = arith.muli %arg1, %mul3A : i32
    %add3A = arith.addi %mul3A_0, %arg0 : i32
    %mul3A_1 = arith.constant 640 : i32
    %mul3A_2 = arith.muli %arg1, %mul3A_1 : i32
    %mul3A_3 = arith.constant 640 : i32
    %mul3A_4 = arith.muli %arg1, %mul3A_3 : i32
    "tpu.region"() ({
      %run_scoped3A = tpu.sem_alloc : memref<!tpu.dma_semaphore, #tpu.memory_space<semaphore_mem>>
      %dma_start3A = arith.constant 0 : i32
      %dma_start3A_15 = tpu.memref_slice %arg10[%mul3A_4, %dma_start3A] : memref<10240x128xf32, #tpu.memory_space<vmem_shared>> -> memref<640x128xf32, #tpu.memory_space<vmem_shared>>
      %dma_start3A_16 = arith.constant 0 : i32
      %dma_start3A_17 = tpu.memref_slice %arg5[%mul3A_2, %dma_start3A_16] : memref<10240x128xf32, #tpu.memory_space<hbm>> -> memref<640x128xf32, #tpu.memory_space<hbm>>
      tpu.enqueue_dma source(%dma_start3A_17 : memref<640x128xf32, #tpu.memory_space<hbm>>) target(%dma_start3A_15 : memref<640x128xf32, #tpu.memory_space<vmem_shared>>) target_semaphore(%run_scoped3A : memref<!tpu.dma_semaphore, #tpu.memory_space<semaphore_mem>>)
      %dma_wait3A = arith.constant 0 : i32
      %dma_wait3A_18 = tpu.memref_slice %arg10[%mul3A_4, %dma_wait3A] : memref<10240x128xf32, #tpu.memory_space<vmem_shared>> -> memref<640x128xf32, #tpu.memory_space<vmem_shared>>
      %dma_wait3A_19 = arith.constant 0 : i32
      %dma_wait3A_20 = tpu.memref_slice %arg5[%mul3A_2, %dma_wait3A_19] : memref<10240x128xf32, #tpu.memory_space<hbm>> -> memref<640x128xf32, #tpu.memory_space<hbm>>
      tpu.wait_dma2 semaphore(%run_scoped3A : memref<!tpu.dma_semaphore, #tpu.memory_space<semaphore_mem>>) src(%dma_wait3A_20 : memref<640x128xf32, #tpu.memory_space<hbm>>) dst(%dma_wait3A_18 : memref<640x128xf32, #tpu.memory_space<vmem_shared>>)
      tpu.yield
    }) : () -> ()
    "tpu.region"() ({
      %run_scoped3A = tpu.sem_alloc : memref<!tpu.dma_semaphore, #tpu.memory_space<semaphore_mem>>
      %dma_start3A = arith.constant 0 : i32
      %dma_start3A_15 = arith.constant 0 : i32
      %dma_start3A_16 = tpu.memref_slice %arg3[%add3A, %dma_start3A, %dma_start3A_15] : memref<32x79x128xi32, #tpu.memory_space<hbm>> -> memref<1x79x128xi32, #tpu.memory_space<hbm>>
      %dma_start3A_17 = tpu.memref_squeeze %dma_start3A_16 : memref<1x79x128xi32, #tpu.memory_space<hbm>> -> memref<79x128xi32, #tpu.memory_space<hbm>>
      %dma_start3A_18 = arith.constant 0 : i32
      %dma_start3A_19 = arith.constant 0 : i32
      %dma_start3A_20 = tpu.memref_slice %arg3[%add3A, %dma_start3A_18, %dma_start3A_19] : memref<32x79x128xi32, #tpu.memory_space<hbm>> -> memref<1x79x128xi32, #tpu.memory_space<hbm>>
      %dma_start3A_21 = tpu.memref_squeeze %dma_start3A_20 : memref<1x79x128xi32, #tpu.memory_space<hbm>> -> memref<79x128xi32, #tpu.memory_space<hbm>>
      tpu.enqueue_dma source(%dma_start3A_21 : memref<79x128xi32, #tpu.memory_space<hbm>>) target(%arg7 : memref<79x128xi32, #tpu.memory_space<vmem>>) target_semaphore(%run_scoped3A : memref<!tpu.dma_semaphore, #tpu.memory_space<semaphore_mem>>)
      %dma_wait3A = arith.constant 0 : i32
      %dma_wait3A_22 = arith.constant 0 : i32
      %dma_wait3A_23 = tpu.memref_slice %arg3[%add3A, %dma_wait3A, %dma_wait3A_22] : memref<32x79x128xi32, #tpu.memory_space<hbm>> -> memref<1x79x128xi32, #tpu.memory_space<hbm>>
      %dma_wait3A_24 = tpu.memref_squeeze %dma_wait3A_23 : memref<1x79x128xi32, #tpu.memory_space<hbm>> -> memref<79x128xi32, #tpu.memory_space<hbm>>
      %dma_wait3A_25 = arith.constant 0 : i32
      %dma_wait3A_26 = arith.constant 0 : i32
      %dma_wait3A_27 = tpu.memref_slice %arg3[%add3A, %dma_wait3A_25, %dma_wait3A_26] : memref<32x79x128xi32, #tpu.memory_space<hbm>> -> memref<1x79x128xi32, #tpu.memory_space<hbm>>
      %dma_wait3A_28 = tpu.memref_squeeze %dma_wait3A_27 : memref<1x79x128xi32, #tpu.memory_space<hbm>> -> memref<79x128xi32, #tpu.memory_space<hbm>>
      tpu.wait_dma2 semaphore(%run_scoped3A : memref<!tpu.dma_semaphore, #tpu.memory_space<semaphore_mem>>) src(%dma_wait3A_28 : memref<79x128xi32, #tpu.memory_space<hbm>>) dst(%arg7 : memref<79x128xi32, #tpu.memory_space<vmem>>)
      tpu.yield
    }) : () -> ()
    "tpu.region"() ({
      %run_scoped3A = tpu.sem_alloc : memref<!tpu.dma_semaphore, #tpu.memory_space<semaphore_mem>>
      %dma_start3A = arith.constant 0 : i32
      %dma_start3A_15 = arith.constant 0 : i32
      %dma_start3A_16 = tpu.memref_slice %arg4[%add3A, %dma_start3A, %dma_start3A_15] : memref<32x79x128xi32, #tpu.memory_space<hbm>> -> memref<1x79x128xi32, #tpu.memory_space<hbm>>
      %dma_start3A_17 = tpu.memref_squeeze %dma_start3A_16 : memref<1x79x128xi32, #tpu.memory_space<hbm>> -> memref<79x128xi32, #tpu.memory_space<hbm>>
      %dma_start3A_18 = arith.constant 0 : i32
      %dma_start3A_19 = arith.constant 0 : i32
      %dma_start3A_20 = tpu.memref_slice %arg4[%add3A, %dma_start3A_18, %dma_start3A_19] : memref<32x79x128xi32, #tpu.memory_space<hbm>> -> memref<1x79x128xi32, #tpu.memory_space<hbm>>
      %dma_start3A_21 = tpu.memref_squeeze %dma_start3A_20 : memref<1x79x128xi32, #tpu.memory_space<hbm>> -> memref<79x128xi32, #tpu.memory_space<hbm>>
      tpu.enqueue_dma source(%dma_start3A_21 : memref<79x128xi32, #tpu.memory_space<hbm>>) target(%arg8 : memref<79x128xi32, #tpu.memory_space<vmem>>) target_semaphore(%run_scoped3A : memref<!tpu.dma_semaphore, #tpu.memory_space<semaphore_mem>>)
      %dma_wait3A = arith.constant 0 : i32
      %dma_wait3A_22 = arith.constant 0 : i32
      %dma_wait3A_23 = tpu.memref_slice %arg4[%add3A, %dma_wait3A, %dma_wait3A_22] : memref<32x79x128xi32, #tpu.memory_space<hbm>> -> memref<1x79x128xi32, #tpu.memory_space<hbm>>
      %dma_wait3A_24 = tpu.memref_squeeze %dma_wait3A_23 : memref<1x79x128xi32, #tpu.memory_space<hbm>> -> memref<79x128xi32, #tpu.memory_space<hbm>>
      %dma_wait3A_25 = arith.constant 0 : i32
      %dma_wait3A_26 = arith.constant 0 : i32
      %dma_wait3A_27 = tpu.memref_slice %arg4[%add3A, %dma_wait3A_25, %dma_wait3A_26] : memref<32x79x128xi32, #tpu.memory_space<hbm>> -> memref<1x79x128xi32, #tpu.memory_space<hbm>>
      %dma_wait3A_28 = tpu.memref_squeeze %dma_wait3A_27 : memref<1x79x128xi32, #tpu.memory_space<hbm>> -> memref<79x128xi32, #tpu.memory_space<hbm>>
      tpu.wait_dma2 semaphore(%run_scoped3A : memref<!tpu.dma_semaphore, #tpu.memory_space<semaphore_mem>>) src(%dma_wait3A_28 : memref<79x128xi32, #tpu.memory_space<hbm>>) dst(%arg8 : memref<79x128xi32, #tpu.memory_space<vmem>>)
      tpu.yield
    }) : () -> ()
    %barrier3A = arith.constant 0 : index
    tpu.barrier barrier_id(%barrier3A)
    %scan3A = arith.constant 0 : i32
    %scan3A_5 = arith.constant 0 : i32
    %scan3A_6 = arith.constant 79 : i32
    %scan3A_7 = arith.addi %scan3A_5, %scan3A_6 : i32
    %scan3A_8 = arith.constant 1 : i32
    scf.for %scan3A_15 = %scan3A_5 to %scan3A_7 step %scan3A_8  : i32 {
      %dma_start3A = arith.constant 0 : i32
      %dma_start3A_16 = tpu.memref_slice %arg7[%scan3A_15, %dma_start3A] : memref<79x128xi32, #tpu.memory_space<vmem>> -> memref<1x128xi32, #tpu.memory_space<vmem>>
      %dma_start3A_17 = tpu.memref_squeeze %dma_start3A_16 : memref<1x128xi32, #tpu.memory_space<vmem>> -> memref<128xi32, #tpu.memory_space<vmem>>
      %dma_start3A_18 = arith.constant 0 : i32
      %dma_start3A_19 = arith.constant 0 : i32
      %dma_start3A_20 = tpu.memref_slice %arg2[%dma_start3A_18, %dma_start3A_19] : memref<10240x128xf32, #tpu.memory_space<hbm>> -> memref<10240x128xf32, #tpu.memory_space<hbm>>
      tpu.enqueue_indirect_dma source(%dma_start3A_20 : memref<10240x128xf32, #tpu.memory_space<hbm>>) target(%arg9 : memref<128x128xf32, #tpu.memory_space<vmem>>) offsets(%dma_start3A_17 : memref<128xi32, #tpu.memory_space<vmem>>) semaphore(%arg11 : memref<!tpu.dma_semaphore, #tpu.memory_space<semaphore_mem>>)
      %dma_wait3A = arith.constant 0 : i32
      %dma_wait3A_21 = tpu.memref_slice %arg7[%scan3A_15, %dma_wait3A] : memref<79x128xi32, #tpu.memory_space<vmem>> -> memref<1x128xi32, #tpu.memory_space<vmem>>
      %dma_wait3A_22 = tpu.memref_squeeze %dma_wait3A_21 : memref<1x128xi32, #tpu.memory_space<vmem>> -> memref<128xi32, #tpu.memory_space<vmem>>
      %dma_wait3A_23 = arith.constant 0 : i32
      %dma_wait3A_24 = arith.constant 0 : i32
      %dma_wait3A_25 = tpu.memref_slice %arg2[%dma_wait3A_23, %dma_wait3A_24] : memref<10240x128xf32, #tpu.memory_space<hbm>> -> memref<10240x128xf32, #tpu.memory_space<hbm>>
      tpu.wait_indirect_dma semaphore(%arg11 : memref<!tpu.dma_semaphore, #tpu.memory_space<semaphore_mem>>) src(%dma_wait3A_25 : memref<10240x128xf32, #tpu.memory_space<hbm>>) dst(%arg9 : memref<128x128xf32, #tpu.memory_space<vmem>>)
      "tpu.region"() ({
        %run_scoped3A = tpu.sem_alloc : memref<!tpu.dma_semaphore, #tpu.memory_space<semaphore_mem>>
        %dma_start3A_26 = arith.constant 0 : i32
        %dma_start3A_27 = tpu.memref_slice %arg8[%scan3A_15, %dma_start3A_26] : memref<79x128xi32, #tpu.memory_space<vmem>> -> memref<1x128xi32, #tpu.memory_space<vmem>>
        %dma_start3A_28 = tpu.memref_squeeze %dma_start3A_27 : memref<1x128xi32, #tpu.memory_space<vmem>> -> memref<128xi32, #tpu.memory_space<vmem>>
        %dma_start3A_29 = arith.constant 0 : i32
        %dma_start3A_30 = arith.constant 0 : i32
        %dma_start3A_31 = tpu.memref_slice %arg10[%dma_start3A_29, %dma_start3A_30] : memref<10240x128xf32, #tpu.memory_space<vmem_shared>> -> memref<10240x128xf32, #tpu.memory_space<vmem_shared>>
        tpu.enqueue_indirect_dma source(%arg9 : memref<128x128xf32, #tpu.memory_space<vmem>>) target(%dma_start3A_31 : memref<10240x128xf32, #tpu.memory_space<vmem_shared>>) offsets(%dma_start3A_28 : memref<128xi32, #tpu.memory_space<vmem>>) semaphore(%run_scoped3A : memref<!tpu.dma_semaphore, #tpu.memory_space<semaphore_mem>>) {add = true}
        %dma_wait3A_32 = arith.constant 0 : i32
        %dma_wait3A_33 = tpu.memref_slice %arg8[%scan3A_15, %dma_wait3A_32] : memref<79x128xi32, #tpu.memory_space<vmem>> -> memref<1x128xi32, #tpu.memory_space<vmem>>
        %dma_wait3A_34 = tpu.memref_squeeze %dma_wait3A_33 : memref<1x128xi32, #tpu.memory_space<vmem>> -> memref<128xi32, #tpu.memory_space<vmem>>
        %dma_wait3A_35 = arith.constant 0 : i32
        %dma_wait3A_36 = arith.constant 0 : i32
        %dma_wait3A_37 = tpu.memref_slice %arg10[%dma_wait3A_35, %dma_wait3A_36] : memref<10240x128xf32, #tpu.memory_space<vmem_shared>> -> memref<10240x128xf32, #tpu.memory_space<vmem_shared>>
        tpu.wait_indirect_dma semaphore(%run_scoped3A : memref<!tpu.dma_semaphore, #tpu.memory_space<semaphore_mem>>) src(%arg9 : memref<128x128xf32, #tpu.memory_space<vmem>>) dst(%dma_wait3A_37 : memref<10240x128xf32, #tpu.memory_space<vmem_shared>>)
        tpu.yield
      }) : () -> ()
    }
    %scan3A_9 = arith.constant 79 : i32
    %barrier3A_10 = arith.constant 0 : index
    tpu.barrier barrier_id(%barrier3A_10)
    %mul3A_11 = arith.constant 640 : i32
    %mul3A_12 = arith.muli %arg1, %mul3A_11 : i32
    %mul3A_13 = arith.constant 640 : i32
    %mul3A_14 = arith.muli %arg1, %mul3A_13 : i32
    "tpu.region"() ({
      %run_scoped3A = tpu.sem_alloc : memref<!tpu.dma_semaphore, #tpu.memory_space<semaphore_mem>>
      %dma_start3A = arith.constant 0 : i32
      %dma_start3A_15 = tpu.memref_slice %arg6[%arg0, %mul3A_14, %dma_start3A] : memref<2x10240x128xf32, #tpu.memory_space<hbm>> -> memref<1x640x128xf32, #tpu.memory_space<hbm>>
      %dma_start3A_16 = tpu.memref_squeeze %dma_start3A_15 : memref<1x640x128xf32, #tpu.memory_space<hbm>> -> memref<640x128xf32, #tpu.memory_space<hbm>>
      %dma_start3A_17 = arith.constant 0 : i32
      %dma_start3A_18 = tpu.memref_slice %arg10[%mul3A_12, %dma_start3A_17] : memref<10240x128xf32, #tpu.memory_space<vmem_shared>> -> memref<640x128xf32, #tpu.memory_space<vmem_shared>>
      tpu.enqueue_dma source(%dma_start3A_18 : memref<640x128xf32, #tpu.memory_space<vmem_shared>>) target(%dma_start3A_16 : memref<640x128xf32, #tpu.memory_space<hbm>>) target_semaphore(%run_scoped3A : memref<!tpu.dma_semaphore, #tpu.memory_space<semaphore_mem>>)
      %dma_wait3A = arith.constant 0 : i32
      %dma_wait3A_19 = tpu.memref_slice %arg6[%arg0, %mul3A_14, %dma_wait3A] : memref<2x10240x128xf32, #tpu.memory_space<hbm>> -> memref<1x640x128xf32, #tpu.memory_space<hbm>>
      %dma_wait3A_20 = tpu.memref_squeeze %dma_wait3A_19 : memref<1x640x128xf32, #tpu.memory_space<hbm>> -> memref<640x128xf32, #tpu.memory_space<hbm>>
      %dma_wait3A_21 = arith.constant 0 : i32
      %dma_wait3A_22 = tpu.memref_slice %arg10[%mul3A_12, %dma_wait3A_21] : memref<10240x128xf32, #tpu.memory_space<vmem_shared>> -> memref<640x128xf32, #tpu.memory_space<vmem_shared>>
      tpu.wait_dma2 semaphore(%run_scoped3A : memref<!tpu.dma_semaphore, #tpu.memory_space<semaphore_mem>>) src(%dma_wait3A_22 : memref<640x128xf32, #tpu.memory_space<vmem_shared>>) dst(%dma_wait3A_20 : memref<640x128xf32, #tpu.memory_space<hbm>>)
      tpu.yield
    }) : () -> ()
    return
  }
}

#map = affine_map<(d0, d1) -> (0, 0, 0)>
#map1 = affine_map<(d0, d1) -> (0)>
#map2 = affine_map<(d0, d1) -> (0, 0)>
module attributes {stable_mosaic.version = 14 : i64} {
  func.func @deg_kernel(%arg0: i32, %arg1: i32, %arg2: memref<32x79x128xi32, #tpu.memory_space<hbm>>, %arg3: memref<32x79x128xi32, #tpu.memory_space<hbm>>, %arg4: memref<10240xf32, #tpu.memory_space<hbm>>, %arg5: memref<4x10240xf32, #tpu.memory_space<hbm>>, %arg6: memref<79x128xi32, #tpu.memory_space<vmem>>, %arg7: memref<79x128xi32, #tpu.memory_space<vmem>>, %arg8: memref<128xf32, #tpu.memory_space<vmem>>, %arg9: memref<10240xf32, #tpu.memory_space<vmem_shared>>, %arg10: memref<10240xf32, #tpu.memory_space<vmem_shared>>) attributes {dimension_semantics = [#tpu.dimension_semantics<core_parallel>, #tpu.dimension_semantics<subcore_parallel>], iteration_bounds = array<i64: 2, 16>, scalar_prefetch = 0 : i64, scratch_operands = 5 : i64, tpu.core_type = #tpu.core_type<sc_vector_subcore>, window_params = [{transform_indices = #map}, {transform_indices = #map}, {transform_indices = #map1}, {transform_indices = #map2}]} {
    %mul3A = arith.constant 2 : i32
    %mul3A_0 = arith.muli %arg1, %mul3A : i32
    %add3A = arith.addi %mul3A_0, %arg0 : i32
    %broadcast_in_dim3A = arith.constant 1.000000e+00 : f32
    %broadcast_in_dim3A_1 = vector.broadcast %broadcast_in_dim3A : f32 to vector<16xf32>
    %swap3A = arith.constant 0 : index
    %swap3A_2 = tpu.vector_load %arg8[%swap3A] {strides = array<i32>} : memref<128xf32, #tpu.memory_space<vmem>>, vector<16xf32>,
    %swap3A_3 = vector.shape_cast %swap3A_2 : vector<16xf32> to vector<16xf32>
    %swap3A_4 = vector.shape_cast %broadcast_in_dim3A_1 : vector<16xf32> to vector<16xf32>
    tpu.vector_store %arg8[%swap3A], %swap3A_4 {strides = array<i32>} : memref<128xf32, #tpu.memory_space<vmem>>, vector<16xf32>,
    %broadcast_in_dim3A_5 = arith.constant 1.000000e+00 : f32
    %broadcast_in_dim3A_6 = vector.broadcast %broadcast_in_dim3A_5 : f32 to vector<16xf32>
    %swap3A_7 = arith.constant 16 : index
    %swap3A_8 = tpu.vector_load %arg8[%swap3A_7] {strides = array<i32>} : memref<128xf32, #tpu.memory_space<vmem>>, vector<16xf32>,
    %swap3A_9 = vector.shape_cast %swap3A_8 : vector<16xf32> to vector<16xf32>
    %swap3A_10 = vector.shape_cast %broadcast_in_dim3A_6 : vector<16xf32> to vector<16xf32>
    tpu.vector_store %arg8[%swap3A_7], %swap3A_10 {strides = array<i32>} : memref<128xf32, #tpu.memory_space<vmem>>, vector<16xf32>,
    %broadcast_in_dim3A_11 = arith.constant 1.000000e+00 : f32
    %broadcast_in_dim3A_12 = vector.broadcast %broadcast_in_dim3A_11 : f32 to vector<16xf32>
    %swap3A_13 = arith.constant 32 : index
    %swap3A_14 = tpu.vector_load %arg8[%swap3A_13] {strides = array<i32>} : memref<128xf32, #tpu.memory_space<vmem>>, vector<16xf32>,
    %swap3A_15 = vector.shape_cast %swap3A_14 : vector<16xf32> to vector<16xf32>
    %swap3A_16 = vector.shape_cast %broadcast_in_dim3A_12 : vector<16xf32> to vector<16xf32>
    tpu.vector_store %arg8[%swap3A_13], %swap3A_16 {strides = array<i32>} : memref<128xf32, #tpu.memory_space<vmem>>, vector<16xf32>,
    %broadcast_in_dim3A_17 = arith.constant 1.000000e+00 : f32
    %broadcast_in_dim3A_18 = vector.broadcast %broadcast_in_dim3A_17 : f32 to vector<16xf32>
    %swap3A_19 = arith.constant 48 : index
    %swap3A_20 = tpu.vector_load %arg8[%swap3A_19] {strides = array<i32>} : memref<128xf32, #tpu.memory_space<vmem>>, vector<16xf32>,
    %swap3A_21 = vector.shape_cast %swap3A_20 : vector<16xf32> to vector<16xf32>
    %swap3A_22 = vector.shape_cast %broadcast_in_dim3A_18 : vector<16xf32> to vector<16xf32>
    tpu.vector_store %arg8[%swap3A_19], %swap3A_22 {strides = array<i32>} : memref<128xf32, #tpu.memory_space<vmem>>, vector<16xf32>,
    %broadcast_in_dim3A_23 = arith.constant 1.000000e+00 : f32
    %broadcast_in_dim3A_24 = vector.broadcast %broadcast_in_dim3A_23 : f32 to vector<16xf32>
    %swap3A_25 = arith.constant 64 : index
    %swap3A_26 = tpu.vector_load %arg8[%swap3A_25] {strides = array<i32>} : memref<128xf32, #tpu.memory_space<vmem>>, vector<16xf32>,
    %swap3A_27 = vector.shape_cast %swap3A_26 : vector<16xf32> to vector<16xf32>
    %swap3A_28 = vector.shape_cast %broadcast_in_dim3A_24 : vector<16xf32> to vector<16xf32>
    tpu.vector_store %arg8[%swap3A_25], %swap3A_28 {strides = array<i32>} : memref<128xf32, #tpu.memory_space<vmem>>, vector<16xf32>,
    %broadcast_in_dim3A_29 = arith.constant 1.000000e+00 : f32
    %broadcast_in_dim3A_30 = vector.broadcast %broadcast_in_dim3A_29 : f32 to vector<16xf32>
    %swap3A_31 = arith.constant 80 : index
    %swap3A_32 = tpu.vector_load %arg8[%swap3A_31] {strides = array<i32>} : memref<128xf32, #tpu.memory_space<vmem>>, vector<16xf32>,
    %swap3A_33 = vector.shape_cast %swap3A_32 : vector<16xf32> to vector<16xf32>
    %swap3A_34 = vector.shape_cast %broadcast_in_dim3A_30 : vector<16xf32> to vector<16xf32>
    tpu.vector_store %arg8[%swap3A_31], %swap3A_34 {strides = array<i32>} : memref<128xf32, #tpu.memory_space<vmem>>, vector<16xf32>,
    %broadcast_in_dim3A_35 = arith.constant 1.000000e+00 : f32
    %broadcast_in_dim3A_36 = vector.broadcast %broadcast_in_dim3A_35 : f32 to vector<16xf32>
    %swap3A_37 = arith.constant 96 : index
    %swap3A_38 = tpu.vector_load %arg8[%swap3A_37] {strides = array<i32>} : memref<128xf32, #tpu.memory_space<vmem>>, vector<16xf32>,
    %swap3A_39 = vector.shape_cast %swap3A_38 : vector<16xf32> to vector<16xf32>
    %swap3A_40 = vector.shape_cast %broadcast_in_dim3A_36 : vector<16xf32> to vector<16xf32>
    tpu.vector_store %arg8[%swap3A_37], %swap3A_40 {strides = array<i32>} : memref<128xf32, #tpu.memory_space<vmem>>, vector<16xf32>,
    %broadcast_in_dim3A_41 = arith.constant 1.000000e+00 : f32
    %broadcast_in_dim3A_42 = vector.broadcast %broadcast_in_dim3A_41 : f32 to vector<16xf32>
    %swap3A_43 = arith.constant 112 : index
    %swap3A_44 = tpu.vector_load %arg8[%swap3A_43] {strides = array<i32>} : memref<128xf32, #tpu.memory_space<vmem>>, vector<16xf32>,
    %swap3A_45 = vector.shape_cast %swap3A_44 : vector<16xf32> to vector<16xf32>
    %swap3A_46 = vector.shape_cast %broadcast_in_dim3A_42 : vector<16xf32> to vector<16xf32>
    tpu.vector_store %arg8[%swap3A_43], %swap3A_46 {strides = array<i32>} : memref<128xf32, #tpu.memory_space<vmem>>, vector<16xf32>,
    %mul3A_47 = arith.constant 640 : i32
    %mul3A_48 = arith.muli %arg1, %mul3A_47 : i32
    %mul3A_49 = arith.constant 640 : i32
    %mul3A_50 = arith.muli %arg1, %mul3A_49 : i32
    "tpu.region"() ({
      %run_scoped3A = tpu.sem_alloc : memref<!tpu.dma_semaphore, #tpu.memory_space<semaphore_mem>>
      %dma_start3A = tpu.memref_slice %arg9[%mul3A_50] : memref<10240xf32, #tpu.memory_space<vmem_shared>> -> memref<640xf32, #tpu.memory_space<vmem_shared>>
      %dma_start3A_75 = tpu.memref_slice %arg4[%mul3A_48] : memref<10240xf32, #tpu.memory_space<hbm>> -> memref<640xf32, #tpu.memory_space<hbm>>
      tpu.enqueue_dma source(%dma_start3A_75 : memref<640xf32, #tpu.memory_space<hbm>>) target(%dma_start3A : memref<640xf32, #tpu.memory_space<vmem_shared>>) target_semaphore(%run_scoped3A : memref<!tpu.dma_semaphore, #tpu.memory_space<semaphore_mem>>)
      %dma_wait3A = tpu.memref_slice %arg9[%mul3A_50] : memref<10240xf32, #tpu.memory_space<vmem_shared>> -> memref<640xf32, #tpu.memory_space<vmem_shared>>
      %dma_wait3A_76 = tpu.memref_slice %arg4[%mul3A_48] : memref<10240xf32, #tpu.memory_space<hbm>> -> memref<640xf32, #tpu.memory_space<hbm>>
      tpu.wait_dma2 semaphore(%run_scoped3A : memref<!tpu.dma_semaphore, #tpu.memory_space<semaphore_mem>>) src(%dma_wait3A_76 : memref<640xf32, #tpu.memory_space<hbm>>) dst(%dma_wait3A : memref<640xf32, #tpu.memory_space<vmem_shared>>)
      tpu.yield
    }) : () -> ()
    %mul3A_51 = arith.constant 640 : i32
    %mul3A_52 = arith.muli %arg1, %mul3A_51 : i32
    %mul3A_53 = arith.constant 640 : i32
    %mul3A_54 = arith.muli %arg1, %mul3A_53 : i32
    "tpu.region"() ({
      %run_scoped3A = tpu.sem_alloc : memref<!tpu.dma_semaphore, #tpu.memory_space<semaphore_mem>>
      %dma_start3A = tpu.memref_slice %arg10[%mul3A_54] : memref<10240xf32, #tpu.memory_space<vmem_shared>> -> memref<640xf32, #tpu.memory_space<vmem_shared>>
      %dma_start3A_75 = tpu.memref_slice %arg4[%mul3A_52] : memref<10240xf32, #tpu.memory_space<hbm>> -> memref<640xf32, #tpu.memory_space<hbm>>
      tpu.enqueue_dma source(%dma_start3A_75 : memref<640xf32, #tpu.memory_space<hbm>>) target(%dma_start3A : memref<640xf32, #tpu.memory_space<vmem_shared>>) target_semaphore(%run_scoped3A : memref<!tpu.dma_semaphore, #tpu.memory_space<semaphore_mem>>)
      %dma_wait3A = tpu.memref_slice %arg10[%mul3A_54] : memref<10240xf32, #tpu.memory_space<vmem_shared>> -> memref<640xf32, #tpu.memory_space<vmem_shared>>
      %dma_wait3A_76 = tpu.memref_slice %arg4[%mul3A_52] : memref<10240xf32, #tpu.memory_space<hbm>> -> memref<640xf32, #tpu.memory_space<hbm>>
      tpu.wait_dma2 semaphore(%run_scoped3A : memref<!tpu.dma_semaphore, #tpu.memory_space<semaphore_mem>>) src(%dma_wait3A_76 : memref<640xf32, #tpu.memory_space<hbm>>) dst(%dma_wait3A : memref<640xf32, #tpu.memory_space<vmem_shared>>)
      tpu.yield
    }) : () -> ()
    "tpu.region"() ({
      %run_scoped3A = tpu.sem_alloc : memref<!tpu.dma_semaphore, #tpu.memory_space<semaphore_mem>>
      %dma_start3A = arith.constant 0 : i32
      %dma_start3A_75 = arith.constant 0 : i32
      %dma_start3A_76 = tpu.memref_slice %arg2[%add3A, %dma_start3A, %dma_start3A_75] : memref<32x79x128xi32, #tpu.memory_space<hbm>> -> memref<1x79x128xi32, #tpu.memory_space<hbm>>
      %dma_start3A_77 = tpu.memref_squeeze %dma_start3A_76 : memref<1x79x128xi32, #tpu.memory_space<hbm>> -> memref<79x128xi32, #tpu.memory_space<hbm>>
      %dma_start3A_78 = arith.constant 0 : i32
      %dma_start3A_79 = arith.constant 0 : i32
      %dma_start3A_80 = tpu.memref_slice %arg2[%add3A, %dma_start3A_78, %dma_start3A_79] : memref<32x79x128xi32, #tpu.memory_space<hbm>> -> memref<1x79x128xi32, #tpu.memory_space<hbm>>
      %dma_start3A_81 = tpu.memref_squeeze %dma_start3A_80 : memref<1x79x128xi32, #tpu.memory_space<hbm>> -> memref<79x128xi32, #tpu.memory_space<hbm>>
      tpu.enqueue_dma source(%dma_start3A_81 : memref<79x128xi32, #tpu.memory_space<hbm>>) target(%arg6 : memref<79x128xi32, #tpu.memory_space<vmem>>) target_semaphore(%run_scoped3A : memref<!tpu.dma_semaphore, #tpu.memory_space<semaphore_mem>>)
      %dma_wait3A = arith.constant 0 : i32
      %dma_wait3A_82 = arith.constant 0 : i32
      %dma_wait3A_83 = tpu.memref_slice %arg2[%add3A, %dma_wait3A, %dma_wait3A_82] : memref<32x79x128xi32, #tpu.memory_space<hbm>> -> memref<1x79x128xi32, #tpu.memory_space<hbm>>
      %dma_wait3A_84 = tpu.memref_squeeze %dma_wait3A_83 : memref<1x79x128xi32, #tpu.memory_space<hbm>> -> memref<79x128xi32, #tpu.memory_space<hbm>>
      %dma_wait3A_85 = arith.constant 0 : i32
      %dma_wait3A_86 = arith.constant 0 : i32
      %dma_wait3A_87 = tpu.memref_slice %arg2[%add3A, %dma_wait3A_85, %dma_wait3A_86] : memref<32x79x128xi32, #tpu.memory_space<hbm>> -> memref<1x79x128xi32, #tpu.memory_space<hbm>>
      %dma_wait3A_88 = tpu.memref_squeeze %dma_wait3A_87 : memref<1x79x128xi32, #tpu.memory_space<hbm>> -> memref<79x128xi32, #tpu.memory_space<hbm>>
      tpu.wait_dma2 semaphore(%run_scoped3A : memref<!tpu.dma_semaphore, #tpu.memory_space<semaphore_mem>>) src(%dma_wait3A_88 : memref<79x128xi32, #tpu.memory_space<hbm>>) dst(%arg6 : memref<79x128xi32, #tpu.memory_space<vmem>>)
      tpu.yield
    }) : () -> ()
    "tpu.region"() ({
      %run_scoped3A = tpu.sem_alloc : memref<!tpu.dma_semaphore, #tpu.memory_space<semaphore_mem>>
      %dma_start3A = arith.constant 0 : i32
      %dma_start3A_75 = arith.constant 0 : i32
      %dma_start3A_76 = tpu.memref_slice %arg3[%add3A, %dma_start3A, %dma_start3A_75] : memref<32x79x128xi32, #tpu.memory_space<hbm>> -> memref<1x79x128xi32, #tpu.memory_space<hbm>>
      %dma_start3A_77 = tpu.memref_squeeze %dma_start3A_76 : memref<1x79x128xi32, #tpu.memory_space<hbm>> -> memref<79x128xi32, #tpu.memory_space<hbm>>
      %dma_start3A_78 = arith.constant 0 : i32
      %dma_start3A_79 = arith.constant 0 : i32
      %dma_start3A_80 = tpu.memref_slice %arg3[%add3A, %dma_start3A_78, %dma_start3A_79] : memref<32x79x128xi32, #tpu.memory_space<hbm>> -> memref<1x79x128xi32, #tpu.memory_space<hbm>>
      %dma_start3A_81 = tpu.memref_squeeze %dma_start3A_80 : memref<1x79x128xi32, #tpu.memory_space<hbm>> -> memref<79x128xi32, #tpu.memory_space<hbm>>
      tpu.enqueue_dma source(%dma_start3A_81 : memref<79x128xi32, #tpu.memory_space<hbm>>) target(%arg7 : memref<79x128xi32, #tpu.memory_space<vmem>>) target_semaphore(%run_scoped3A : memref<!tpu.dma_semaphore, #tpu.memory_space<semaphore_mem>>)
      %dma_wait3A = arith.constant 0 : i32
      %dma_wait3A_82 = arith.constant 0 : i32
      %dma_wait3A_83 = tpu.memref_slice %arg3[%add3A, %dma_wait3A, %dma_wait3A_82] : memref<32x79x128xi32, #tpu.memory_space<hbm>> -> memref<1x79x128xi32, #tpu.memory_space<hbm>>
      %dma_wait3A_84 = tpu.memref_squeeze %dma_wait3A_83 : memref<1x79x128xi32, #tpu.memory_space<hbm>> -> memref<79x128xi32, #tpu.memory_space<hbm>>
      %dma_wait3A_85 = arith.constant 0 : i32
      %dma_wait3A_86 = arith.constant 0 : i32
      %dma_wait3A_87 = tpu.memref_slice %arg3[%add3A, %dma_wait3A_85, %dma_wait3A_86] : memref<32x79x128xi32, #tpu.memory_space<hbm>> -> memref<1x79x128xi32, #tpu.memory_space<hbm>>
      %dma_wait3A_88 = tpu.memref_squeeze %dma_wait3A_87 : memref<1x79x128xi32, #tpu.memory_space<hbm>> -> memref<79x128xi32, #tpu.memory_space<hbm>>
      tpu.wait_dma2 semaphore(%run_scoped3A : memref<!tpu.dma_semaphore, #tpu.memory_space<semaphore_mem>>) src(%dma_wait3A_88 : memref<79x128xi32, #tpu.memory_space<hbm>>) dst(%arg7 : memref<79x128xi32, #tpu.memory_space<vmem>>)
      tpu.yield
    }) : () -> ()
    %barrier3A = arith.constant 0 : index
    tpu.barrier barrier_id(%barrier3A)
    %scan3A = arith.constant 0 : i32
    %scan3A_55 = arith.constant 0 : i32
    %scan3A_56 = arith.constant 79 : i32
    %scan3A_57 = arith.addi %scan3A_55, %scan3A_56 : i32
    %scan3A_58 = arith.constant 1 : i32
    scf.for %scan3A_75 = %scan3A_55 to %scan3A_57 step %scan3A_58  : i32 {
      "tpu.region"() ({
        %run_scoped3A = tpu.sem_alloc : memref<!tpu.dma_semaphore, #tpu.memory_space<semaphore_mem>>
        %dma_start3A = arith.constant 0 : i32
        %dma_start3A_76 = tpu.memref_slice %arg6[%scan3A_75, %dma_start3A] : memref<79x128xi32, #tpu.memory_space<vmem>> -> memref<1x128xi32, #tpu.memory_space<vmem>>
        %dma_start3A_77 = tpu.memref_squeeze %dma_start3A_76 : memref<1x128xi32, #tpu.memory_space<vmem>> -> memref<128xi32, #tpu.memory_space<vmem>>
        %dma_start3A_78 = arith.constant 0 : i32
        %dma_start3A_79 = tpu.memref_slice %arg9[%dma_start3A_78] : memref<10240xf32, #tpu.memory_space<vmem_shared>> -> memref<10240xf32, #tpu.memory_space<vmem_shared>>
        tpu.enqueue_indirect_dma source(%arg8 : memref<128xf32, #tpu.memory_space<vmem>>) target(%dma_start3A_79 : memref<10240xf32, #tpu.memory_space<vmem_shared>>) offsets(%dma_start3A_77 : memref<128xi32, #tpu.memory_space<vmem>>) semaphore(%run_scoped3A : memref<!tpu.dma_semaphore, #tpu.memory_space<semaphore_mem>>) {add = true}
        %dma_wait3A = arith.constant 0 : i32
        %dma_wait3A_80 = tpu.memref_slice %arg6[%scan3A_75, %dma_wait3A] : memref<79x128xi32, #tpu.memory_space<vmem>> -> memref<1x128xi32, #tpu.memory_space<vmem>>
        %dma_wait3A_81 = tpu.memref_squeeze %dma_wait3A_80 : memref<1x128xi32, #tpu.memory_space<vmem>> -> memref<128xi32, #tpu.memory_space<vmem>>
        %dma_wait3A_82 = arith.constant 0 : i32
        %dma_wait3A_83 = tpu.memref_slice %arg9[%dma_wait3A_82] : memref<10240xf32, #tpu.memory_space<vmem_shared>> -> memref<10240xf32, #tpu.memory_space<vmem_shared>>
        tpu.wait_indirect_dma semaphore(%run_scoped3A : memref<!tpu.dma_semaphore, #tpu.memory_space<semaphore_mem>>) src(%arg8 : memref<128xf32, #tpu.memory_space<vmem>>) dst(%dma_wait3A_83 : memref<10240xf32, #tpu.memory_space<vmem_shared>>)
        tpu.yield
      }) : () -> ()
      "tpu.region"() ({
        %run_scoped3A = tpu.sem_alloc : memref<!tpu.dma_semaphore, #tpu.memory_space<semaphore_mem>>
        %dma_start3A = arith.constant 0 : i32
        %dma_start3A_76 = tpu.memref_slice %arg7[%scan3A_75, %dma_start3A] : memref<79x128xi32, #tpu.memory_space<vmem>> -> memref<1x128xi32, #tpu.memory_space<vmem>>
        %dma_start3A_77 = tpu.memref_squeeze %dma_start3A_76 : memref<1x128xi32, #tpu.memory_space<vmem>> -> memref<128xi32, #tpu.memory_space<vmem>>
        %dma_start3A_78 = arith.constant 0 : i32
        %dma_start3A_79 = tpu.memref_slice %arg10[%dma_start3A_78] : memref<10240xf32, #tpu.memory_space<vmem_shared>> -> memref<10240xf32, #tpu.memory_space<vmem_shared>>
        tpu.enqueue_indirect_dma source(%arg8 : memref<128xf32, #tpu.memory_space<vmem>>) target(%dma_start3A_79 : memref<10240xf32, #tpu.memory_space<vmem_shared>>) offsets(%dma_start3A_77 : memref<128xi32, #tpu.memory_space<vmem>>) semaphore(%run_scoped3A : memref<!tpu.dma_semaphore, #tpu.memory_space<semaphore_mem>>) {add = true}
        %dma_wait3A = arith.constant 0 : i32
        %dma_wait3A_80 = tpu.memref_slice %arg7[%scan3A_75, %dma_wait3A] : memref<79x128xi32, #tpu.memory_space<vmem>> -> memref<1x128xi32, #tpu.memory_space<vmem>>
        %dma_wait3A_81 = tpu.memref_squeeze %dma_wait3A_80 : memref<1x128xi32, #tpu.memory_space<vmem>> -> memref<128xi32, #tpu.memory_space<vmem>>
        %dma_wait3A_82 = arith.constant 0 : i32
        %dma_wait3A_83 = tpu.memref_slice %arg10[%dma_wait3A_82] : memref<10240xf32, #tpu.memory_space<vmem_shared>> -> memref<10240xf32, #tpu.memory_space<vmem_shared>>
        tpu.wait_indirect_dma semaphore(%run_scoped3A : memref<!tpu.dma_semaphore, #tpu.memory_space<semaphore_mem>>) src(%arg8 : memref<128xf32, #tpu.memory_space<vmem>>) dst(%dma_wait3A_83 : memref<10240xf32, #tpu.memory_space<vmem_shared>>)
        tpu.yield
      }) : () -> ()
    }
    %scan3A_59 = arith.constant 79 : i32
    %barrier3A_60 = arith.constant 0 : index
    tpu.barrier barrier_id(%barrier3A_60)
    %mul3A_61 = arith.constant 640 : i32
    %mul3A_62 = arith.muli %arg1, %mul3A_61 : i32
    %mul3A_63 = arith.constant 2 : i32
    %mul3A_64 = arith.muli %mul3A_63, %arg0 : i32
    %mul3A_65 = arith.constant 640 : i32
    %mul3A_66 = arith.muli %arg1, %mul3A_65 : i32
    "tpu.region"() ({
      %run_scoped3A = tpu.sem_alloc : memref<!tpu.dma_semaphore, #tpu.memory_space<semaphore_mem>>
      %dma_start3A = tpu.memref_slice %arg5[%mul3A_64, %mul3A_66] : memref<4x10240xf32, #tpu.memory_space<hbm>> -> memref<1x640xf32, #tpu.memory_space<hbm>>
      %dma_start3A_75 = tpu.memref_squeeze %dma_start3A : memref<1x640xf32, #tpu.memory_space<hbm>> -> memref<640xf32, #tpu.memory_space<hbm>>
      %dma_start3A_76 = tpu.memref_slice %arg9[%mul3A_62] : memref<10240xf32, #tpu.memory_space<vmem_shared>> -> memref<640xf32, #tpu.memory_space<vmem_shared>>
      tpu.enqueue_dma source(%dma_start3A_76 : memref<640xf32, #tpu.memory_space<vmem_shared>>) target(%dma_start3A_75 : memref<640xf32, #tpu.memory_space<hbm>>) target_semaphore(%run_scoped3A : memref<!tpu.dma_semaphore, #tpu.memory_space<semaphore_mem>>)
      %dma_wait3A = tpu.memref_slice %arg5[%mul3A_64, %mul3A_66] : memref<4x10240xf32, #tpu.memory_space<hbm>> -> memref<1x640xf32, #tpu.memory_space<hbm>>
      %dma_wait3A_77 = tpu.memref_squeeze %dma_wait3A : memref<1x640xf32, #tpu.memory_space<hbm>> -> memref<640xf32, #tpu.memory_space<hbm>>
      %dma_wait3A_78 = tpu.memref_slice %arg9[%mul3A_62] : memref<10240xf32, #tpu.memory_space<vmem_shared>> -> memref<640xf32, #tpu.memory_space<vmem_shared>>
      tpu.wait_dma2 semaphore(%run_scoped3A : memref<!tpu.dma_semaphore, #tpu.memory_space<semaphore_mem>>) src(%dma_wait3A_78 : memref<640xf32, #tpu.memory_space<vmem_shared>>) dst(%dma_wait3A_77 : memref<640xf32, #tpu.memory_space<hbm>>)
      tpu.yield
    }) : () -> ()
    %mul3A_67 = arith.constant 640 : i32
    %mul3A_68 = arith.muli %arg1, %mul3A_67 : i32
    %mul3A_69 = arith.constant 2 : i32
    %mul3A_70 = arith.muli %mul3A_69, %arg0 : i32
    %add3A_71 = arith.constant 1 : i32
    %add3A_72 = arith.addi %mul3A_70, %add3A_71 : i32
    %mul3A_73 = arith.constant 640 : i32
    %mul3A_74 = arith.muli %arg1, %mul3A_73 : i32
    "tpu.region"() ({
      %run_scoped3A = tpu.sem_alloc : memref<!tpu.dma_semaphore, #tpu.memory_space<semaphore_mem>>
      %dma_start3A = tpu.memref_slice %arg5[%add3A_72, %mul3A_74] : memref<4x10240xf32, #tpu.memory_space<hbm>> -> memref<1x640xf32, #tpu.memory_space<hbm>>
      %dma_start3A_75 = tpu.memref_squeeze %dma_start3A : memref<1x640xf32, #tpu.memory_space<hbm>> -> memref<640xf32, #tpu.memory_space<hbm>>
      %dma_start3A_76 = tpu.memref_slice %arg10[%mul3A_68] : memref<10240xf32, #tpu.memory_space<vmem_shared>> -> memref<640xf32, #tpu.memory_space<vmem_shared>>
      tpu.enqueue_dma source(%dma_start3A_76 : memref<640xf32, #tpu.memory_space<vmem_shared>>) target(%dma_start3A_75 : memref<640xf32, #tpu.memory_space<hbm>>) target_semaphore(%run_scoped3A : memref<!tpu.dma_semaphore, #tpu.memory_space<semaphore_mem>>)
      %dma_wait3A = tpu.memref_slice %arg5[%add3A_72, %mul3A_74] : memref<4x10240xf32, #tpu.memory_space<hbm>> -> memref<1x640xf32, #tpu.memory_space<hbm>>
      %dma_wait3A_77 = tpu.memref_squeeze %dma_wait3A : memref<1x640xf32, #tpu.memory_space<hbm>> -> memref<640xf32, #tpu.memory_space<hbm>>
      %dma_wait3A_78 = tpu.memref_slice %arg10[%mul3A_68] : memref<10240xf32, #tpu.memory_space<vmem_shared>> -> memref<640xf32, #tpu.memory_space<vmem_shared>>
      tpu.wait_dma2 semaphore(%run_scoped3A : memref<!tpu.dma_semaphore, #tpu.memory_space<semaphore_mem>>) src(%dma_wait3A_78 : memref<640xf32, #tpu.memory_space<vmem_shared>>) dst(%dma_wait3A_77 : memref<640xf32, #tpu.memory_space<hbm>>)
      tpu.yield
    }) : () -> ()
    return
  }
}

module attributes {stable_mosaic.version = 14 : i64} {
  func.func @_prep_body(%arg0: i32, %arg1: memref<1024x128xf32, #tpu.memory_space<vmem>>, %arg2: memref<4x1024xf32, #tpu.memory_space<vmem>>, %arg3: memref<1024x128xf32, #tpu.memory_space<vmem>>, %arg4: memref<1024x1xf32, #tpu.memory_space<vmem>>, %arg5: memref<1024x1xf32, #tpu.memory_space<vmem>>) attributes {dimension_semantics = [#tpu.dimension_semantics<arbitrary>], iteration_bounds = array<i64: 10>, scalar_prefetch = 0 : i64, scratch_operands = 0 : i64, tpu.core_type = #tpu.core_type<tc>, window_params = [{transform_indices = @transform_0, window_bounds = array<i64: 1024, 128>}, {transform_indices = @transform_1, window_bounds = array<i64: 4, 1024>}, {transform_indices = @transform_2, window_bounds = array<i64: 1024, 128>}, {transform_indices = @transform_3, window_bounds = array<i64: 1024, 1>}, {transform_indices = @transform_4, window_bounds = array<i64: 1024, 1>}]} {
    %get3A = arith.constant 0 : index
    %get3A_0 = arith.constant 0 : index
    %get3A_1 = vector.load %arg2[%get3A, %get3A_0] : memref<4x1024xf32, #tpu.memory_space<vmem>>, vector<1x1024xf32>
    %get3A_2 = vector.shape_cast %get3A_1 : vector<1x1024xf32> to vector<1024xf32>
    %get3A_3 = arith.constant 2 : index
    %get3A_4 = arith.constant 0 : index
    %get3A_5 = vector.load %arg2[%get3A_3, %get3A_4] : memref<4x1024xf32, #tpu.memory_space<vmem>>, vector<1x1024xf32>
    %get3A_6 = vector.shape_cast %get3A_5 : vector<1x1024xf32> to vector<1024xf32>
    %add3A = arith.addf %get3A_2, %get3A_6 : vector<1024xf32>
    %get3A_7 = arith.constant 1 : index
    %get3A_8 = arith.constant 0 : index
    %get3A_9 = vector.load %arg2[%get3A_7, %get3A_8] : memref<4x1024xf32, #tpu.memory_space<vmem>>, vector<1x1024xf32>
    %get3A_10 = vector.shape_cast %get3A_9 : vector<1x1024xf32> to vector<1024xf32>
    %get3A_11 = arith.constant 3 : index
    %get3A_12 = arith.constant 0 : index
    %get3A_13 = vector.load %arg2[%get3A_11, %get3A_12] : memref<4x1024xf32, #tpu.memory_space<vmem>>, vector<1x1024xf32>
    %get3A_14 = vector.shape_cast %get3A_13 : vector<1x1024xf32> to vector<1024xf32>
    %add3A_15 = arith.addf %get3A_10, %get3A_14 : vector<1024xf32>
    %max3A = arith.constant 1.000000e+00 : f32
    %max3A_16 = vector.broadcast %max3A : f32 to vector<1024xf32>
    %max3A_17 = arith.maximumf %add3A, %max3A_16 : vector<1024xf32>
    %rsqrt3A = math.rsqrt %max3A_17 : vector<1024xf32>
    %broadcast_in_dim3A = vector.shape_cast %rsqrt3A : vector<1024xf32> to vector<1024x1xf32>
    %max3A_18 = arith.constant 1.000000e+00 : f32
    %max3A_19 = vector.broadcast %max3A_18 : f32 to vector<1024xf32>
    %max3A_20 = arith.maximumf %add3A_15, %max3A_19 : vector<1024xf32>
    %rsqrt3A_21 = math.rsqrt %max3A_20 : vector<1024xf32>
    %broadcast_in_dim3A_22 = vector.shape_cast %rsqrt3A_21 : vector<1024xf32> to vector<1024x1xf32>
    %swap3A = arith.constant 0 : index
    %swap3A_23 = arith.constant 0 : index
    %swap3A_24 = vector.load %arg4[%swap3A, %swap3A_23] : memref<1024x1xf32, #tpu.memory_space<vmem>>, vector<1024x1xf32>
    tpu.vector_store %arg4[%swap3A, %swap3A_23], %broadcast_in_dim3A {strides = array<i32>} : memref<1024x1xf32, #tpu.memory_space<vmem>>, vector<1024x1xf32>,
    %swap3A_25 = arith.constant 0 : index
    %swap3A_26 = arith.constant 0 : index
    %swap3A_27 = vector.load %arg5[%swap3A_25, %swap3A_26] : memref<1024x1xf32, #tpu.memory_space<vmem>>, vector<1024x1xf32>
    tpu.vector_store %arg5[%swap3A_25, %swap3A_26], %broadcast_in_dim3A_22 {strides = array<i32>} : memref<1024x1xf32, #tpu.memory_space<vmem>>, vector<1024x1xf32>,
    %get3A_28 = arith.constant 0 : index
    %get3A_29 = arith.constant 0 : index
    %get3A_30 = vector.load %arg1[%get3A_28, %get3A_29] : memref<1024x128xf32, #tpu.memory_space<vmem>>, vector<1024x128xf32>
    %mul3A = vector.broadcast %broadcast_in_dim3A : vector<1024x1xf32> to vector<1024x128xf32>
    %mul3A_31 = arith.mulf %get3A_30, %mul3A : vector<1024x128xf32>
    %swap3A_32 = arith.constant 0 : index
    %swap3A_33 = arith.constant 0 : index
    %swap3A_34 = vector.load %arg3[%swap3A_32, %swap3A_33] : memref<1024x128xf32, #tpu.memory_space<vmem>>, vector<1024x128xf32>
    tpu.vector_store %arg3[%swap3A_32, %swap3A_33], %mul3A_31 {strides = array<i32>} : memref<1024x128xf32, #tpu.memory_space<vmem>>, vector<1024x128xf32>,
    return
  }
  func.func @transform_0(%arg0: i32) -> (i32, i32) {
    %c0_i32 = arith.constant 0 : i32
    %c0_i32_0 = arith.constant 0 : i32
    return %arg0, %c0_i32 : i32, i32
  }
  func.func @transform_1(%arg0: i32) -> (i32, i32) {
    %c0_i32 = arith.constant 0 : i32
    %c0_i32_0 = arith.constant 0 : i32
    return %c0_i32, %arg0 : i32, i32
  }
  func.func @transform_2(%arg0: i32) -> (i32, i32) {
    %c0_i32 = arith.constant 0 : i32
    %c0_i32_0 = arith.constant 0 : i32
    return %arg0, %c0_i32 : i32, i32
  }
  func.func @transform_3(%arg0: i32) -> (i32, i32) {
    %c0_i32 = arith.constant 0 : i32
    %c0_i32_0 = arith.constant 0 : i32
    return %arg0, %c0_i32 : i32, i32
  }
  func.func @transform_4(%arg0: i32) -> (i32, i32) {
    %c0_i32 = arith.constant 0 : i32
    %c0_i32_0 = arith.constant 0 : i32
    return %arg0, %c0_i32 : i32, i32
  }
}

module attributes {stable_mosaic.version = 14 : i64} {
  func.func @_layer_body(%arg0: i32, %arg1: memref<2x1024x128xf32, #tpu.memory_space<vmem>>, %arg2: memref<1024x1xf32, #tpu.memory_space<vmem>>, %arg3: memref<1024x1xf32, #tpu.memory_space<vmem>>, %arg4: memref<128x128xf32, #tpu.memory_space<vmem>>, %arg5: memref<1x128xf32, #tpu.memory_space<vmem>>, %arg6: memref<1024x128xf32, #tpu.memory_space<vmem>>) attributes {dimension_semantics = [#tpu.dimension_semantics<arbitrary>], iteration_bounds = array<i64: 10>, scalar_prefetch = 0 : i64, scratch_operands = 0 : i64, tpu.core_type = #tpu.core_type<tc>, window_params = [{transform_indices = @transform_0, window_bounds = array<i64: 2, 1024, 128>}, {transform_indices = @transform_1, window_bounds = array<i64: 1024, 1>}, {transform_indices = @transform_2, window_bounds = array<i64: 1024, 1>}, {pipeline_mode = #tpu.pipeline_mode<synchronous>, transform_indices = @transform_3, window_bounds = array<i64: 128, 128>}, {pipeline_mode = #tpu.pipeline_mode<synchronous>, transform_indices = @transform_4, window_bounds = array<i64: 1, 128>}, {transform_indices = @transform_5, window_bounds = array<i64: 1024, 128>}]} {
    %get3A = arith.constant 0 : index
    %get3A_0 = arith.constant 0 : index
    %get3A_1 = arith.constant 0 : index
    %get3A_2 = vector.load %arg1[%get3A, %get3A_0, %get3A_1] : memref<2x1024x128xf32, #tpu.memory_space<vmem>>, vector<1x1024x128xf32>
    %get3A_3 = vector.shape_cast %get3A_2 : vector<1x1024x128xf32> to vector<1024x128xf32>
    %get3A_4 = arith.constant 1 : index
    %get3A_5 = arith.constant 0 : index
    %get3A_6 = arith.constant 0 : index
    %get3A_7 = vector.load %arg1[%get3A_4, %get3A_5, %get3A_6] : memref<2x1024x128xf32, #tpu.memory_space<vmem>>, vector<1x1024x128xf32>
    %get3A_8 = vector.shape_cast %get3A_7 : vector<1x1024x128xf32> to vector<1024x128xf32>
    %add3A = arith.addf %get3A_3, %get3A_8 : vector<1024x128xf32>
    %get3A_9 = arith.constant 0 : index
    %get3A_10 = arith.constant 0 : index
    %get3A_11 = vector.load %arg2[%get3A_9, %get3A_10] : memref<1024x1xf32, #tpu.memory_space<vmem>>, vector<1024x1xf32>
    %mul3A = vector.broadcast %get3A_11 : vector<1024x1xf32> to vector<1024x128xf32>
    %mul3A_12 = arith.mulf %add3A, %mul3A : vector<1024x128xf32>
    %get3A_13 = arith.constant 0 : index
    %get3A_14 = arith.constant 0 : index
    %get3A_15 = vector.load %arg4[%get3A_13, %get3A_14] : memref<128x128xf32, #tpu.memory_space<vmem>>, vector<128x128xf32>
    %dot_general3A = arith.constant dense<0.000000e+00> : vector<1024x128xf32>
    %dot_general3A_16 = tpu.matmul %mul3A_12, %get3A_15, %dot_general3A {dimension_numbers = #tpu.dot_dimension_numbers<[1], [0], [0], [1], [0, 0, 1, 1], [], []>, transpose_lhs_hint = false} : vector<1024x128xf32>, vector<128x128xf32>, vector<1024x128xf32> -> vector<1024x128xf32>
    %get3A_17 = arith.constant 0 : index
    %get3A_18 = arith.constant 0 : index
    %get3A_19 = vector.load %arg5[%get3A_17, %get3A_18] : memref<1x128xf32, #tpu.memory_space<vmem>>, vector<1x128xf32>
    %add3A_20 = vector.broadcast %get3A_19 : vector<1x128xf32> to vector<1024x128xf32>
    %add3A_21 = arith.addf %dot_general3A_16, %add3A_20 : vector<1024x128xf32>
    %max3A = arith.constant 0.000000e+00 : f32
    %max3A_22 = vector.broadcast %max3A : f32 to vector<1024x128xf32>
    %max3A_23 = arith.maximumf %add3A_21, %max3A_22 : vector<1024x128xf32>
    %get3A_24 = arith.constant 0 : index
    %get3A_25 = arith.constant 0 : index
    %get3A_26 = vector.load %arg3[%get3A_24, %get3A_25] : memref<1024x1xf32, #tpu.memory_space<vmem>>, vector<1024x1xf32>
    %mul3A_27 = vector.broadcast %get3A_26 : vector<1024x1xf32> to vector<1024x128xf32>
    %mul3A_28 = arith.mulf %max3A_23, %mul3A_27 : vector<1024x128xf32>
    %swap3A = arith.constant 0 : index
    %swap3A_29 = arith.constant 0 : index
    %swap3A_30 = vector.load %arg6[%swap3A, %swap3A_29] : memref<1024x128xf32, #tpu.memory_space<vmem>>, vector<1024x128xf32>
    tpu.vector_store %arg6[%swap3A, %swap3A_29], %mul3A_28 {strides = array<i32>} : memref<1024x128xf32, #tpu.memory_space<vmem>>, vector<1024x128xf32>,
    return
  }
  func.func @transform_0(%arg0: i32) -> (i32, i32, i32) {
    %c0_i32 = arith.constant 0 : i32
    %c0_i32_0 = arith.constant 0 : i32
    %c0_i32_1 = arith.constant 0 : i32
    return %c0_i32, %arg0, %c0_i32_0 : i32, i32, i32
  }
  func.func @transform_1(%arg0: i32) -> (i32, i32) {
    %c0_i32 = arith.constant 0 : i32
    %c0_i32_0 = arith.constant 0 : i32
    return %arg0, %c0_i32 : i32, i32
  }
  func.func @transform_2(%arg0: i32) -> (i32, i32) {
    %c0_i32 = arith.constant 0 : i32
    %c0_i32_0 = arith.constant 0 : i32
    return %arg0, %c0_i32 : i32, i32
  }
  func.func @transform_3(%arg0: i32) -> (i32, i32) {
    %c0_i32 = arith.constant 0 : i32
    %c0_i32_0 = arith.constant 0 : i32
    %c0_i32_1 = arith.constant 0 : i32
    return %c0_i32, %c0_i32_0 : i32, i32
  }
  func.func @transform_4(%arg0: i32) -> (i32, i32) {
    %c0_i32 = arith.constant 0 : i32
    %c0_i32_0 = arith.constant 0 : i32
    %c0_i32_1 = arith.constant 0 : i32
    return %c0_i32, %c0_i32_0 : i32, i32
  }
  func.func @transform_5(%arg0: i32) -> (i32, i32) {
    %c0_i32 = arith.constant 0 : i32
    %c0_i32_0 = arith.constant 0 : i32
    return %arg0, %c0_i32 : i32, i32
  }
}

module attributes {stable_mosaic.version = 14 : i64} {
  func.func @_layer_body(%arg0: i32, %arg1: memref<2x1024x128xf32, #tpu.memory_space<vmem>>, %arg2: memref<1024x1xf32, #tpu.memory_space<vmem>>, %arg3: memref<1024x1xf32, #tpu.memory_space<vmem>>, %arg4: memref<128x128xf32, #tpu.memory_space<vmem>>, %arg5: memref<1x128xf32, #tpu.memory_space<vmem>>, %arg6: memref<1024x128xf32, #tpu.memory_space<vmem>>) attributes {dimension_semantics = [#tpu.dimension_semantics<arbitrary>], iteration_bounds = array<i64: 10>, scalar_prefetch = 0 : i64, scratch_operands = 0 : i64, tpu.core_type = #tpu.core_type<tc>, window_params = [{transform_indices = @transform_0, window_bounds = array<i64: 2, 1024, 128>}, {transform_indices = @transform_1, window_bounds = array<i64: 1024, 1>}, {transform_indices = @transform_2, window_bounds = array<i64: 1024, 1>}, {pipeline_mode = #tpu.pipeline_mode<synchronous>, transform_indices = @transform_3, window_bounds = array<i64: 128, 128>}, {pipeline_mode = #tpu.pipeline_mode<synchronous>, transform_indices = @transform_4, window_bounds = array<i64: 1, 128>}, {transform_indices = @transform_5, window_bounds = array<i64: 1024, 128>}]} {
    %get3A = arith.constant 0 : index
    %get3A_0 = arith.constant 0 : index
    %get3A_1 = arith.constant 0 : index
    %get3A_2 = vector.load %arg1[%get3A, %get3A_0, %get3A_1] : memref<2x1024x128xf32, #tpu.memory_space<vmem>>, vector<1x1024x128xf32>
    %get3A_3 = vector.shape_cast %get3A_2 : vector<1x1024x128xf32> to vector<1024x128xf32>
    %get3A_4 = arith.constant 1 : index
    %get3A_5 = arith.constant 0 : index
    %get3A_6 = arith.constant 0 : index
    %get3A_7 = vector.load %arg1[%get3A_4, %get3A_5, %get3A_6] : memref<2x1024x128xf32, #tpu.memory_space<vmem>>, vector<1x1024x128xf32>
    %get3A_8 = vector.shape_cast %get3A_7 : vector<1x1024x128xf32> to vector<1024x128xf32>
    %add3A = arith.addf %get3A_3, %get3A_8 : vector<1024x128xf32>
    %get3A_9 = arith.constant 0 : index
    %get3A_10 = arith.constant 0 : index
    %get3A_11 = vector.load %arg2[%get3A_9, %get3A_10] : memref<1024x1xf32, #tpu.memory_space<vmem>>, vector<1024x1xf32>
    %mul3A = vector.broadcast %get3A_11 : vector<1024x1xf32> to vector<1024x128xf32>
    %mul3A_12 = arith.mulf %add3A, %mul3A : vector<1024x128xf32>
    %get3A_13 = arith.constant 0 : index
    %get3A_14 = arith.constant 0 : index
    %get3A_15 = vector.load %arg4[%get3A_13, %get3A_14] : memref<128x128xf32, #tpu.memory_space<vmem>>, vector<128x128xf32>
    %dot_general3A = arith.constant dense<0.000000e+00> : vector<1024x128xf32>
    %dot_general3A_16 = tpu.matmul %mul3A_12, %get3A_15, %dot_general3A {dimension_numbers = #tpu.dot_dimension_numbers<[1], [0], [0], [1], [0, 0, 1, 1], [], []>, transpose_lhs_hint = false} : vector<1024x128xf32>, vector<128x128xf32>, vector<1024x128xf32> -> vector<1024x128xf32>
    %get3A_17 = arith.constant 0 : index
    %get3A_18 = arith.constant 0 : index
    %get3A_19 = vector.load %arg5[%get3A_17, %get3A_18] : memref<1x128xf32, #tpu.memory_space<vmem>>, vector<1x128xf32>
    %add3A_20 = vector.broadcast %get3A_19 : vector<1x128xf32> to vector<1024x128xf32>
    %add3A_21 = arith.addf %dot_general3A_16, %add3A_20 : vector<1024x128xf32>
    %swap3A = arith.constant 0 : index
    %swap3A_22 = arith.constant 0 : index
    %swap3A_23 = vector.load %arg6[%swap3A, %swap3A_22] : memref<1024x128xf32, #tpu.memory_space<vmem>>, vector<1024x128xf32>
    tpu.vector_store %arg6[%swap3A, %swap3A_22], %add3A_21 {strides = array<i32>} : memref<1024x128xf32, #tpu.memory_space<vmem>>, vector<1024x128xf32>,
    return
  }
  func.func @transform_0(%arg0: i32) -> (i32, i32, i32) {
    %c0_i32 = arith.constant 0 : i32
    %c0_i32_0 = arith.constant 0 : i32
    %c0_i32_1 = arith.constant 0 : i32
    return %c0_i32, %arg0, %c0_i32_0 : i32, i32, i32
  }
  func.func @transform_1(%arg0: i32) -> (i32, i32) {
    %c0_i32 = arith.constant 0 : i32
    %c0_i32_0 = arith.constant 0 : i32
    return %arg0, %c0_i32 : i32, i32
  }
  func.func @transform_2(%arg0: i32) -> (i32, i32) {
    %c0_i32 = arith.constant 0 : i32
    %c0_i32_0 = arith.constant 0 : i32
    return %arg0, %c0_i32 : i32, i32
  }
  func.func @transform_3(%arg0: i32) -> (i32, i32) {
    %c0_i32 = arith.constant 0 : i32
    %c0_i32_0 = arith.constant 0 : i32
    %c0_i32_1 = arith.constant 0 : i32
    return %c0_i32, %c0_i32_0 : i32, i32
  }
  func.func @transform_4(%arg0: i32) -> (i32, i32) {
    %c0_i32 = arith.constant 0 : i32
    %c0_i32_0 = arith.constant 0 : i32
    %c0_i32_1 = arith.constant 0 : i32
    return %c0_i32, %c0_i32_0 : i32, i32
  }
  func.func @transform_5(%arg0: i32) -> (i32, i32) {
    %c0_i32 = arith.constant 0 : i32
    %c0_i32_0 = arith.constant 0 : i32
    return %arg0, %c0_i32 : i32, i32
  }
}

</mosaic_0001>

<sc_bundles>
// kernel: kernel.11.cloned.1.call-start
scs
__scs_entry_jumppad:
0x0: {  	(pc) =	sbr.rel $0x88, $3  }
0x1: {  	(tag) =	ssettag $0x0;
	lr =	simm.s32 $0x1  }
0x2: {  	[smem:$0x3F9B] =	sst lr;
	_ =	strace $0xD0000000  }
0x3: {  	_ = 	snop  }
0x4: {  	_ = 	snop  }
0x5: {  	_ = 	snop  }
0x6: {  	_ = 	snop  }
0x7: {  	_ = 	snop  }
__scs_overlays_trampoline_lowered:
0x8: {  	[smem:$0x3FAA] =	sst s0  }
0x9: {  	[smem:$0x3FAB] =	sst s1  }
0xa: {  	[smem:$0x3FAC] =	sst s2  }
0xb: {  	[smem:$0x3FAD] =	sst s3  }
0xc: {  	[smem:$0x3FAE] =	sst s4  }
0xd: {  	[smem:$0x3FAF] =	sst s5  }
0xe: {  	[smem:$0x3FB0] =	sst s6  }
0xf: {  	[smem:$0x3FB1] =	sst s7  }
0x10: {  	[smem:$0x3FB2] =	sst s8  }
0x11: {  	[smem:$0x3FB3] =	sst s9;
	s0 =	simm.s32 @!p0 $0x0  }
0x12: {  	s1 =	sld [smem:$0x3F99];
	s0 =	simm.s32 @p0 $0x1  }
0x13: {  	[smem:$0x3FB4] =	sst s0;
	s0 =	simm.s32 @!p1 $0x0  }
0x14: {  	s2 =	sld [smem:$0x3F98];
	s0 =	simm.s32 @p1 $0x1  }
0x15: {  	[smem:$0x3FB5] =	sst s0;
	s0 =	simm.s32 @!p2 $0x0  }
0x16: {  	s3 =	sld [smem:$0x3FDB];
	s0 =	simm.s32 @p2 $0x1  }
0x17: {  	s4 =	simm.s32 $0x1BF5;
	[smem:$0x3FB7] =	sst s0  }
0x18: {  	s0 =	sld [smem:$0x3F9A];
	_ =	swait.ge [sflag:s4], $0x0  }
0x19: {  	s7 =	sld [smem:$0x3F9B]  }
0x1a: {  	s8 =	sadd.s32 $0xFFFFE003, lr  }
0x1b: {  	s9 =	sadd.s32 $0xFFFFFEF7, lr;
	s5 =	simm.s32 $0xFFFFFFFF;
	p2 =	slt.u32 s8, $0xFFFFF086  }
0x1c: {  	p1 =	slt.u32 s9, $0xF7A;
	s5 =	simm.s32 @!p2 $0x0  }
0x1d: {  	s5 =	simm.s32 @p1 $0x1;
	p0 =	seq.s32 s7, s2  }
0x1e: {  	s7 =	smul.u32 @!p0 $0xF7A, s2;
	p2 =	seq.s32 @!p0 s5, $0x0  }
0x1f: {  	s9 =	smul.u32 $0xF7A, s1;
	s8 =	simm.s32 @!p0 $0x1BF5;
	p2 =	por !p2, p0  }
0x20: {  	[sflag:s8] =	ssyncset.s32 @!p0 $0xFFFFF086;
	s6 =	sadd.s32 @!p0 s3, s7;
	s7 =	simm.s32 @!p0 $0x108  }
0x21: {  	s3 =	sadd.s32 s3, s9;
	s6 =	sadd.s32 @!p0 $0x88, s6;
	s7 =	simm.s32 @p2 $0x1082  }
0x22: {  	[simem:s7], [sflag:s8] =	dma.local @!p0 [hbm:s6], $0xF7A  }
0x23: {  	s9 =	sor.u32 $0xD0000000, s2;
	s6 =	simm.s32 $0x108;
	_ =	swait.ge @!p0 [sflag:s8], $0x0  }
0x24: {  	s3 =	sadd.s32 $0x88, s3;
	s6 =	simm.s32 @!p1 $0x1082;
	[sflag:s4] =	ssyncset.s32 $0xFFFFF086  }
0x25: {  	[simem:s6], [sflag:s4] =	dma.local [hbm:s3], $0xF7A  }
0x26: {  	[smem:$0x3F9B] =	sst s1;
	(tag) =	ssettag s2;
	_ =	strace s9  }
0x27: {  	s1 =	sld [smem:$0x3FAB]  }
0x28: {  	s2 =	sld [smem:$0x3FAC]  }
0x29: {  	s4 =	sld [smem:$0x3FAE]  }
0x2a: {  	p0 =	seq.s32 s5, $0x0;
	s5 =	sld [smem:$0x3FAF]  }
0x2b: {  	s6 =	sld [smem:$0x3FB0]  }
0x2c: {  	s7 =	sld [smem:$0x3FB1]  }
0x2d: {  	s3 =	simm.s32 $0x108;
	s8 =	sld [smem:$0x3FB2]  }
0x2e: {  	s3 =	simm.s32 @!p0 $0x1082;
	s9 =	sld [smem:$0x3FB3]  }
0x2f: {  	lr =	sadd.s32 s0, s3;
	s0 =	sld [smem:$0x3FAA]  }
0x30: {  	s3 =	sld [smem:$0x3FAD]  }
0x31: {  	[smem:$0x3FB6] =	sst s10  }
0x32: {  	s10 =	sld [smem:$0x3FB4];
	_ =	sdelay $0x3  }
0x33: {  	p0 =	seq.s32 s10, $0x1;
	s10 =	sld [smem:$0x3FB6];
	_ =	sdelay $0x3  }
0x34: {  	[smem:$0x3FB6] =	sst s10  }
0x35: {  	s10 =	sld [smem:$0x3FB5];
	_ =	sdelay $0x3  }
0x36: {  	p1 =	seq.s32 s10, $0x1;
	s10 =	sld [smem:$0x3FB6];
	_ =	sdelay $0x3  }
0x37: {  	[smem:$0x3FB6] =	sst s10  }
0x38: {  	s10 =	sld [smem:$0x3FB7]  }
0x39: {  	_ = 	snop;
	(pc) =	sbr.ind lr, $3  }
0x3a: {  	_ = 	snop  }
0x3b: {  	_ = 	snop  }
0x3c: {  	p2 =	seq.s32 s10, $0x1;
	s10 =	sld [smem:$0x3FB6]  }
0x3d: {  	_ =	shalt  }
0x3e: {  	_ =	shalt  }
0x3f: {  	_ =	shalt  }
0x40: {  	_ =	shalt  }
0x41: {  	_ =	shalt  }
0x42: {  	_ =	shalt  }
0x43: {  	_ =	shalt  }
0x44: {  	_ =	shalt  }
0x45: {  	_ =	shalt  }
0x46: {  	_ =	shalt  }
0x47: {  	_ =	shalt  }
0x48: {  	_ =	shalt  }
0x49: {  	_ =	shalt  }
0x4a: {  	_ =	shalt  }
0x4b: {  	_ =	shalt  }
0x4c: {  	_ =	shalt  }
0x4d: {  	_ =	shalt  }
0x4e: {  	_ =	shalt  }
0x4f: {  	_ =	shalt  }
0x50: {  	_ =	shalt  }
0x51: {  	_ =	shalt  }
0x52: {  	_ =	shalt  }
0x53: {  	_ =	shalt  }
0x54: {  	_ =	shalt  }
0x55: {  	_ =	shalt  }
0x56: {  	_ =	shalt  }
0x57: {  	_ =	shalt  }
0x58: {  	_ =	shalt  }
0x59: {  	_ =	shalt  }
0x5a: {  	_ =	shalt  }
0x5b: {  	_ =	shalt  }
0x5c: {  	_ =	shalt  }
0x5d: {  	_ =	shalt  }
0x5e: {  	_ =	shalt  }
0x5f: {  	_ =	shalt  }
0x60: {  	_ =	shalt  }
0x61: {  	_ =	shalt  }
0x62: {  	_ =	shalt  }
0x63: {  	_ =	shalt  }
0x64: {  	_ =	shalt  }
0x65: {  	_ =	shalt  }
0x66: {  	_ =	shalt  }
0x67: {  	_ =	shalt  }
0x68: {  	_ =	shalt  }
0x69: {  	_ =	shalt  }
0x6a: {  	_ =	shalt  }
0x6b: {  	_ =	shalt  }
0x6c: {  	_ =	shalt  }
0x6d: {  	_ =	shalt  }
0x6e: {  	_ =	shalt  }
0x6f: {  	_ =	shalt  }
0x70: {  	_ =	shalt  }
0x71: {  	_ =	shalt  }
0x72: {  	_ =	shalt  }
0x73: {  	_ =	shalt  }
0x74: {  	_ =	shalt  }
0x75: {  	_ =	shalt  }
0x76: {  	_ =	shalt  }
0x77: {  	_ =	shalt  }
0x78: {  	_ =	shalt  }
0x79: {  	_ =	shalt  }
0x7a: {  	_ =	shalt  }
0x7b: {  	_ =	shalt  }
0x7c: {  	_ =	shalt  }
0x7d: {  	_ =	shalt  }
0x7e: {  	_ =	shalt  }
0x7f: {  	_ =	shalt  }
0x80: {  	_ =	shalt  }
0x81: {  	_ =	shalt  }
0x82: {  	_ =	shalt  }
0x83: {  	_ =	shalt  }
0x84: {  	_ =	shalt  }
0x85: {  	_ =	shalt  }
0x86: {  	_ =	shalt  }
0x87: {  	_ =	shalt  }
.Lfunc_end0:
.L_simem_size_0:
called_computation.1_lowered:
.L_overlay_start_0:
0x88: {  	s2 =	sld [smem:$0x3FD9]  }
0x89: {  	s3 =	sld [smem:$0x3FFE];
	_ =	sdelay $0x1  }
0x8a: {  	s1 =	srdreg.scid  }
0x8b: {  	s0 =	sand.u32 $0x1, s1  }
0x8c: {  	s17 =	sshll.u32 s0, $0xA;
	s2 =	sadd.s32 s3, s2  }
0x8d: {  	s2 =	sadd.s32 s2, s17  }
0x8e: {  	[smem:$0x3FC2] =	sst s2  }
0x8f: {  	_ = 	snop  }
0x90: {  	s2 =	sld [smem:$0x3FD0];
	(tm) =	ssettm $0x1  }
0x91: {  	s18 =	sld [smem:$0x3FFB];
	_ =	sdelay $0x3  }
0x92: {  	_ =	strace s18  }
0x93: {  	s3 =	sld [smem:$0x3FFC];
	_ =	sdelay $0x3  }
0x94: {  	_ =	strace s3  }
0x95: {  	s3 =	sld [smem:$0x3FFD];
	_ =	sdelay $0x3  }
0x96: {  	_ =	strace s3  }
0x97: {  	_ =	strace $0x8FFFFFFF  }
0x98: {  	s19 =	sld [smem:$0x3FDB];
	_ =	sdelay $0x1  }
0x99: {  	s4 =	simm.s32 $_scs_section_size  }
0x9a: {  	s5 =	simm.s32 $_size__tile_overlayer_lowered;
	s6 =	simm.s32 $_tile_overlayer_lowered  }
0x9b: {  	s22 =	simm.s32 $0x1BFF;
	s21 =	sshll.u32 s6, $0x1;
	s3 =	sadd.s32 s4, s19  }
0x9c: {  	s7 =	simm.s32 $0x0;
	s20 =	sshll.u32 s5, $0x1;
	s5 =	sadd.s32 s21, s3  }
0x9d: {  	[timem:s7], [sflag:s22] =	dma.local [hbm:s5], s20  }
0x9e: {  	_ =	swait.ge [sflag:s22], s20  }
0x9f: {  	s4 =	ssub.s32 $0x0, s20;
	[sflag:s22] =	ssyncset.done $0x0  }
0xa0: {  	[sflag:s22] =	ssyncadd.s32 s4;
	_ =	sdelay $0x1  }
0xa1: {  	s23 =	simm.s32 $0x1B8B  }
0xa2: {  	_ =	swait.ge [sflag:s23], $0x1  }
0xa3: {  	[sflag:s23] =	ssyncset.done $0x0  }
0xa4: {  	s25 =	simm.s32 $0x1B8E;
	s24 =	sld [smem:$0x3FFE];
	[sflag:s23] =	ssyncadd.s32 $0xFFFFFFFF  }
0xa5: {  	s26 =	simm.s32 $execute0_lowered;
	[smem:$0x3FD2] =	sst s25  }
0xa6: {  	s5 =	sshll.u32 s26, $0x1;
	_ =	strace $0x80000049;
	[dreg:$0x1] =	wrdreg $0xFFFFFFFF  }
0xa7: {  	s28 =	simm.s32 $_size_execute0_lowered;
	s3 =	sadd.s32 s3, s5;
	[dreg:$0x0] =	wrdreg $0x0  }
0xa8: {  	s5 =	sshll.u32 s28, $0x1;
	[dreg:$0x2] =	wrdreg s3  }
0xa9: {  	[dreg:$0x3] =	wrdreg s5  }
0xaa: {  	[dreg:$0x4] =	wrdreg $0xC0  }
0xab: {  	_ =	task [dreg:s7], $0x5FFFF  }
0xac: {  	[dreg:$0x1] =	wrdreg $0xFFFFFFFF  }
0xad: {  	[dreg:$0x0] =	wrdreg $0x60  }
0xae: {  	[dreg:$0x2] =	wrdreg s24  }
0xaf: {  	[dreg:$0x3] =	wrdreg s2  }
0xb0: {  	[dreg:$0x4] =	wrdreg $0x90000  }
0xb1: {  	[dreg:$0x5] =	wrdreg $0x9  }
0xb2: {  	_ =	task.clear_ibuf [dreg:s7], $0x6FFFF;
	_ =	strace $0x90000049  }
0xb3: {  	s29 =	simm.s32 $0x9;
	_ =	strace $0x8000004B  }
0xb4: {  	_ =	swait.ge [sflag:s29], $0x1  }
0xb5: {  	[sflag:s29] =	ssyncadd.s32 $0xFFFFFFFF  }
0xb6: {  	_ =	strace $0x9000004B  }
0xb7: {  	_ =	sfence  }
0xb8: {  	s30 =	sld [smem:$0x0];
	_ =	sdelay $0x2  }
0xb9: {  	s31 =	sshll.u32 s1, $0xD;
	s1 =	sshrl.u32 s1, $0x2  }
0xba: {  	s3 =	sand.u32 $0x4000, s31;
	s1 =	sadd.s32 s1, s30  }
0xbb: {  	s0 =	sor.u32 s3, s0;
	s1 =	sshll.u32 s1, $0x11  }
0xbc: {  	s0 =	sor.u32 s1, s0  }
0xbd: {  	s0 =	sadd.s32 $0x8F2B, s0  }
0xbe: {  	[sflag:s0] =	ssyncadd.remote.s32 $0x1  }
0xbf: {  	_ =	sfence.sel $0xFFFF  }
0xc0: {  	[dreg:$0x0] =	wrdreg $0xFFFFFFFF;
	(pc) =	sbr.abs _section_cstart, $3  }
0xc1: {  	[dreg:$0x1] =	wrdreg $0xFFFFFFFF  }
0xc2: {  	_ =	task.clear_ibuf [dreg:s7], $0x2FFFF;
	_ =	strace $0x9FFFFFFF  }
0xc3: {  	(tm) =	ssettm $0x7FFFFFFF  }
tec
execute0_lowered:
.L_overlay_start_1:
0x0: {  	(tag) =	ssettag $0x1  }
0x1: {  	s5 =	rddreg [dreg:$0x0]  }
0x2: {  	s1 =	srdreg.scid;
	s7 =	rddreg [dreg:$0x1]  }
0x3: {  	s0 =	stileid.u32;
	s2 =	rddreg [dreg:$0x2];
	s3 =	simm.s32 $0x0  }
0x4: {  	s15 =	simm.s32 $0x5000;
	s16 =	simm.s32 $0x1;
	s17 =	simm.s32 $0x0  }
0x5: {  	s6 =	sand.u32 $0x1, s1;
	s1 =	rddreg [dreg:$0x3];
	s9 =	smul.u32 $0x14000, s0  }
0x6: {  	s28 =	sshll.u32 s0, $0x1;
	[smem:$0x7FF] =	sst s3;
	s29 =	smul.u32 $0x50000, s0  }
0x7: {  	s31 =	sshll.u32 s0, $0x6;
	s4 =	sor.u32 s6, s28;
	s10 =	smul.u32 $0x140000, s6  }
0x8: {  	_ =	strace $0x8000004A;
	s6 =	ssub.s32 $0x2, s6;
	s8 =	smul.u32 $0x500, s4  }
0x9: {  	s4 =	sadd.s32 $0xBC00, s5;
	s12 =	sshrl.u32 s9, $0x3;
	s13 =	sshrl.u32 s6, $0x1  }
0xa: {  	s30 =	sshrl.u32 s29, $0x2;
	s9 =	sadd.s32 s9, s10;
	s12 =	sadd.s32 s12, s5  }
0xb: {  	s13 =	ssub.s32 s6, s13;
	s14 =	sadd.s32 s30, s2;
	s6 =	sor.u32 $0x1C02, s31  }
0xc: {  	s11 =	sadd.s32 s8, s5;
	s9 =	sshrl.u32 s9, $0x3;
	s7 =	sadd.s32 s7, s8  }
0xd: {  	s10 =	smax.u32 s13, $0x1;
	s13 =	simm.s32 $0x2800;
	s9 =	sadd.s32 s9, s5  }
0xe: {  	s5 =	sadd.s32 $0x33C00, s12;
	s8 =	sadd.s32 $0x1C00, s11;
	s11 =	sshrl.u32 s14, $0x3  }
0xf: {  	s12 =	simm.s32 $0x2;
	s14 =	simm.s32 $0x80;
	s9 =	sadd.s32 $0x5BC00, s9  }
.LBB2_1:
0x10: {  	[spmem:s11], [sflag:s6] =	dma.local [hbm:s5], $0x2800  }
0x11: {  	_ =	swait.ge [sflag:s12], $0x2800  }
0x12: {  	[sflag:s12] =	ssyncset.done $0x0  }
0x13: {  	[sflag:s12] =	ssyncadd.s32 $0xFFFFD800  }
0x14: {  	[tilespmem:s3], [sflag:$0x2] =	stream.linear.gather [hbm4b:s7+s3], $0x2780, $0x38;
	[tilespmem:$0x1D000] =	vst v63  }
0x15: {  	_ =	swait.ge [sflag:s12], $0x2780  }
0x16: {  	[sflag:s12] =	ssyncset.done $0x0  }
0x17: {  	[sflag:s12] =	ssyncadd.s32 $0xFFFFD880  }
0x18: {  	[tilespmem:s13], [sflag:$0x2] =	stream.linear.gather [hbm4b:s8+s3], $0x2780, $0x38;
	[tilespmem:$0x1D000] =	vst v63  }
0x19: {  	_ =	swait.ge [sflag:s12], $0x2780  }
0x1a: {  	[sflag:s12] =	ssyncset.done $0x0  }
0x1b: {  	[sflag:s12] =	ssyncadd.s32 $0xFFFFD880  }
0x1c: {  	s18 =	simm.s32 $0x0;
	[bflag:$0x0] =	sbarrier.arrive $0xFFFF  }
0x1d: {  	[tilespmem:s15], [sflag:$0x1] =	stream.indirect.gather [hbm4b:s4+s14], $0x80, s18, s14, $0xb8;
	[tilespmem:$0x1D000] =	vst v63  }
0x1e: {  	_ =	swait.ge [sflag:s16], $0x4000  }
0x1f: {  	[sflag:s16] =	ssyncset.done $0x0  }
0x20: {  	s31 =	simm.s32 $0x2800;
	[sflag:s16] =	ssyncadd.s32 $0xFFFFC000  }
0x21: {  	[spmem:s2] =	stream.indirect.scatter.add.f32 [tilespmem:s15], [sflag:$0x2], $0x80, s31, s14, $0xb8;
	[tilespmem:$0x1D000] =	vst v63  }
0x22: {  	_ =	swait.ge [sflag:s12], $0x4000  }
0x23: {  	s19 =	simm.s32 $0x400;
	s18 =	simm.s32 $0x200;
	[sflag:s12] =	ssyncset.done $0x0  }
.LBB2_2:
0x24: {  	s20 =	sshra.s32 s18, $0x2  }
0x25: {  	[sflag:s12] =	ssyncadd.s32 $0xFFFFC000;
	s18 =	smov.u32 s19;
	s21 =	sadd.s32 $0x200, s19  }
0x26: {  	[tilespmem:s15], [sflag:$0x1] =	stream.indirect.gather [hbm4b:s4+s14], $0x80, s20, s14, $0xb8;
	[tilespmem:$0x1D000] =	vst v63  }
0x27: {  	p0 =	sne.s32 s19, $0x9C00;
	_ =	swait.ge [sflag:s16], $0x4000  }
.Ltmp0:
0x28: {  	[sflag:s16] =	ssyncset.done $0x0;
	(pc) =	sbr.rel @p0 .LBB2_2-.Ltmp0, $4  }
0x29: {  	s19 =	sadd.s32 $0x2800, s20;
	[sflag:s16] =	ssyncadd.s32 $0xFFFFC000  }
0x2a: {  	[spmem:s2] =	stream.indirect.scatter.add.f32 [tilespmem:s15], [sflag:$0x2], $0x80, s19, s14, $0xb8;
	[tilespmem:$0x1D000] =	vst v63  }
0x2b: {  	_ =	swait.ge [sflag:s12], $0x4000  }
0x2c: {  	s19 =	smov.u32 s21;
	[sflag:s12] =	ssyncset.done $0x0  }
0x2d: {  	s18 =	sshra.s32 s18, $0x2;
	[sflag:s12] =	ssyncadd.s32 $0xFFFFC000  }
0x2e: {  	[tilespmem:s15], [sflag:$0x1] =	stream.indirect.gather [hbm4b:s4+s14], $0x80, s18, s14, $0xb8;
	[tilespmem:$0x1D000] =	vst v63  }
0x2f: {  	_ =	swait.ge [sflag:s16], $0x4000  }
0x30: {  	[sflag:s16] =	ssyncset.done $0x0  }
0x31: {  	s18 =	sadd.s32 $0x2800, s18;
	[sflag:s16] =	ssyncadd.s32 $0xFFFFC000  }
0x32: {  	[spmem:s2] =	stream.indirect.scatter.add.f32 [tilespmem:s15], [sflag:$0x2], $0x80, s18, s14, $0xb8;
	[tilespmem:$0x1D000] =	vst v63  }
0x33: {  	_ =	swait.ge [sflag:s12], $0x4000  }
0x34: {  	s17 =	sadd.s32 $0x1, s17;
	[sflag:s12] =	ssyncset.done $0x0  }
0x35: {  	p0 =	sne.s32 s17, s10;
	[sflag:s12] =	ssyncadd.s32 $0xFFFFC000  }
.Ltmp1:
0x36: {  	[bflag:$0x0] =	sbarrier.arrive $0xFFFF;
	(pc) =	sbr.rel @p0 .LBB2_1-.Ltmp1, $4  }
0x37: {  	[hbm:s9], [sflag:s6] =	dma.local [spmem:s11], $0x2800  }
0x38: {  	_ =	swait.ge [sflag:s12], $0x2800  }
0x39: {  	[sflag:s12] =	ssyncset.done $0x0  }
0x3a: {  	[sflag:s12] =	ssyncadd.s32 $0xFFFFD800  }
0x3b: {  	_ =	sfence.sel $0x180000  }
0x3c: {  	[bflag:$0x0] =	sbarrier.arrive $0xFFFF  }
0x3d: {  	p0 =	sne.s32 s0, $0x0;
	_ =	strace $0x9000004A  }
0x3e: {  	s0 =	sadd.s32 @!p0 $0x100000, s1;
	[bflag:$0x2] =	sbarrier.arrive $0xFFFF  }
0x3f: {  	[sflag:s0] =	ssyncadd.tile.s32 @!p0 $0x1;
	_ =	shalt  }
.Lfunc_end2:
_tile_overlayer_lowered:
.L_overlay_start_2:
0x40: {  	(tag) =	ssettag $0x2  }
0x41: {  	s0 =	rddreg [dreg:$0x0];
	s2 =	stileid.u32  }
0x42: {  	s1 =	rddreg [dreg:$0x1];
	p0 =	sne.s32 s2, $0x0  }
0x43: {  	s3 =	rddreg [dreg:$0x2];
	[bflag:$0x3] =	sbarrier.arrive $0xFFFF;
	s2 =	simm.s32 @!p0 $0x1C02  }
0x44: {  	[timem:s3], [sflag:s2] =	dma.local @!p0 [hbm:s0], s1  }
0x45: {  	s0 =	simm.s32 @!p0 $0x2  }
0x46: {  	_ =	swait.ge @!p0 [sflag:s0], s1  }
0x47: {  	s1 =	ssub.s32 @!p0 $0x0, s1;
	[sflag:s0] =	ssyncset.done @!p0 $0x0  }
0x48: {  	[sflag:s0] =	ssyncadd.s32 @!p0 s1  }
0x49: {  	[bflag:$0x3] =	sbarrier.arrive $0xFFFF  }
0x4a: {  	_ =	shalt  }

// kernel: kernel.14.cloned.1.call-start
scs
__scs_entry_jumppad:
0x0: {  	(pc) =	sbr.rel $0x88, $3  }
0x1: {  	(tag) =	ssettag $0x0;
	lr =	simm.s32 $0x1  }
0x2: {  	[smem:$0x3F9B] =	sst lr;
	_ =	strace $0xD0000000  }
0x3: {  	_ = 	snop  }
0x4: {  	_ = 	snop  }
0x5: {  	_ = 	snop  }
0x6: {  	_ = 	snop  }
0x7: {  	_ = 	snop  }
__scs_overlays_trampoline_lowered:
0x8: {  	[smem:$0x3FAA] =	sst s0  }
0x9: {  	[smem:$0x3FAB] =	sst s1  }
0xa: {  	[smem:$0x3FAC] =	sst s2  }
0xb: {  	[smem:$0x3FAD] =	sst s3  }
0xc: {  	[smem:$0x3FAE] =	sst s4  }
0xd: {  	[smem:$0x3FAF] =	sst s5  }
0xe: {  	[smem:$0x3FB0] =	sst s6  }
0xf: {  	[smem:$0x3FB1] =	sst s7  }
0x10: {  	[smem:$0x3FB2] =	sst s8  }
0x11: {  	[smem:$0x3FB3] =	sst s9;
	s0 =	simm.s32 @!p0 $0x0  }
0x12: {  	s1 =	sld [smem:$0x3F99];
	s0 =	simm.s32 @p0 $0x1  }
0x13: {  	[smem:$0x3FB4] =	sst s0;
	s0 =	simm.s32 @!p1 $0x0  }
0x14: {  	s2 =	sld [smem:$0x3F98];
	s0 =	simm.s32 @p1 $0x1  }
0x15: {  	[smem:$0x3FB5] =	sst s0;
	s0 =	simm.s32 @!p2 $0x0  }
0x16: {  	s3 =	sld [smem:$0x3FDB];
	s0 =	simm.s32 @p2 $0x1  }
0x17: {  	s4 =	simm.s32 $0x1BF5;
	[smem:$0x3FB7] =	sst s0  }
0x18: {  	s0 =	sld [smem:$0x3F9A];
	_ =	swait.ge [sflag:s4], $0x0  }
0x19: {  	s7 =	sld [smem:$0x3F9B]  }
0x1a: {  	s8 =	sadd.s32 $0xFFFFE003, lr  }
0x1b: {  	s9 =	sadd.s32 $0xFFFFFEF7, lr;
	s5 =	simm.s32 $0xFFFFFFFF;
	p2 =	slt.u32 s8, $0xFFFFF086  }
0x1c: {  	p1 =	slt.u32 s9, $0xF7A;
	s5 =	simm.s32 @!p2 $0x0  }
0x1d: {  	s5 =	simm.s32 @p1 $0x1;
	p0 =	seq.s32 s7, s2  }
0x1e: {  	s7 =	smul.u32 @!p0 $0xF7A, s2;
	p2 =	seq.s32 @!p0 s5, $0x0  }
0x1f: {  	s9 =	smul.u32 $0xF7A, s1;
	s8 =	simm.s32 @!p0 $0x1BF5;
	p2 =	por !p2, p0  }
0x20: {  	[sflag:s8] =	ssyncset.s32 @!p0 $0xFFFFF086;
	s6 =	sadd.s32 @!p0 s3, s7;
	s7 =	simm.s32 @!p0 $0x108  }
0x21: {  	s3 =	sadd.s32 s3, s9;
	s6 =	sadd.s32 @!p0 $0x88, s6;
	s7 =	simm.s32 @p2 $0x1082  }
0x22: {  	[simem:s7], [sflag:s8] =	dma.local @!p0 [hbm:s6], $0xF7A  }
0x23: {  	s9 =	sor.u32 $0xD0000000, s2;
	s6 =	simm.s32 $0x108;
	_ =	swait.ge @!p0 [sflag:s8], $0x0  }
0x24: {  	s3 =	sadd.s32 $0x88, s3;
	s6 =	simm.s32 @!p1 $0x1082;
	[sflag:s4] =	ssyncset.s32 $0xFFFFF086  }
0x25: {  	[simem:s6], [sflag:s4] =	dma.local [hbm:s3], $0xF7A  }
0x26: {  	[smem:$0x3F9B] =	sst s1;
	(tag) =	ssettag s2;
	_ =	strace s9  }
0x27: {  	s1 =	sld [smem:$0x3FAB]  }
0x28: {  	s2 =	sld [smem:$0x3FAC]  }
0x29: {  	s4 =	sld [smem:$0x3FAE]  }
0x2a: {  	p0 =	seq.s32 s5, $0x0;
	s5 =	sld [smem:$0x3FAF]  }
0x2b: {  	s6 =	sld [smem:$0x3FB0]  }
0x2c: {  	s7 =	sld [smem:$0x3FB1]  }
0x2d: {  	s3 =	simm.s32 $0x108;
	s8 =	sld [smem:$0x3FB2]  }
0x2e: {  	s3 =	simm.s32 @!p0 $0x1082;
	s9 =	sld [smem:$0x3FB3]  }
0x2f: {  	lr =	sadd.s32 s0, s3;
	s0 =	sld [smem:$0x3FAA]  }
0x30: {  	s3 =	sld [smem:$0x3FAD]  }
0x31: {  	[smem:$0x3FB6] =	sst s10  }
0x32: {  	s10 =	sld [smem:$0x3FB4];
	_ =	sdelay $0x3  }
0x33: {  	p0 =	seq.s32 s10, $0x1;
	s10 =	sld [smem:$0x3FB6];
	_ =	sdelay $0x3  }
0x34: {  	[smem:$0x3FB6] =	sst s10  }
0x35: {  	s10 =	sld [smem:$0x3FB5];
	_ =	sdelay $0x3  }
0x36: {  	p1 =	seq.s32 s10, $0x1;
	s10 =	sld [smem:$0x3FB6];
	_ =	sdelay $0x3  }
0x37: {  	[smem:$0x3FB6] =	sst s10  }
0x38: {  	s10 =	sld [smem:$0x3FB7]  }
0x39: {  	_ = 	snop;
	(pc) =	sbr.ind lr, $3  }
0x3a: {  	_ = 	snop  }
0x3b: {  	_ = 	snop  }
0x3c: {  	p2 =	seq.s32 s10, $0x1;
	s10 =	sld [smem:$0x3FB6]  }
0x3d: {  	_ =	shalt  }
0x3e: {  	_ =	shalt  }
0x3f: {  	_ =	shalt  }
0x40: {  	_ =	shalt  }
0x41: {  	_ =	shalt  }
0x42: {  	_ =	shalt  }
0x43: {  	_ =	shalt  }
0x44: {  	_ =	shalt  }
0x45: {  	_ =	shalt  }
0x46: {  	_ =	shalt  }
0x47: {  	_ =	shalt  }
0x48: {  	_ =	shalt  }
0x49: {  	_ =	shalt  }
0x4a: {  	_ =	shalt  }
0x4b: {  	_ =	shalt  }
0x4c: {  	_ =	shalt  }
0x4d: {  	_ =	shalt  }
0x4e: {  	_ =	shalt  }
0x4f: {  	_ =	shalt  }
0x50: {  	_ =	shalt  }
0x51: {  	_ =	shalt  }
0x52: {  	_ =	shalt  }
0x53: {  	_ =	shalt  }
0x54: {  	_ =	shalt  }
0x55: {  	_ =	shalt  }
0x56: {  	_ =	shalt  }
0x57: {  	_ =	shalt  }
0x58: {  	_ =	shalt  }
0x59: {  	_ =	shalt  }
0x5a: {  	_ =	shalt  }
0x5b: {  	_ =	shalt  }
0x5c: {  	_ =	shalt  }
0x5d: {  	_ =	shalt  }
0x5e: {  	_ =	shalt  }
0x5f: {  	_ =	shalt  }
0x60: {  	_ =	shalt  }
0x61: {  	_ =	shalt  }
0x62: {  	_ =	shalt  }
0x63: {  	_ =	shalt  }
0x64: {  	_ =	shalt  }
0x65: {  	_ =	shalt  }
0x66: {  	_ =	shalt  }
0x67: {  	_ =	shalt  }
0x68: {  	_ =	shalt  }
0x69: {  	_ =	shalt  }
0x6a: {  	_ =	shalt  }
0x6b: {  	_ =	shalt  }
0x6c: {  	_ =	shalt  }
0x6d: {  	_ =	shalt  }
0x6e: {  	_ =	shalt  }
0x6f: {  	_ =	shalt  }
0x70: {  	_ =	shalt  }
0x71: {  	_ =	shalt  }
0x72: {  	_ =	shalt  }
0x73: {  	_ =	shalt  }
0x74: {  	_ =	shalt  }
0x75: {  	_ =	shalt  }
0x76: {  	_ =	shalt  }
0x77: {  	_ =	shalt  }
0x78: {  	_ =	shalt  }
0x79: {  	_ =	shalt  }
0x7a: {  	_ =	shalt  }
0x7b: {  	_ =	shalt  }
0x7c: {  	_ =	shalt  }
0x7d: {  	_ =	shalt  }
0x7e: {  	_ =	shalt  }
0x7f: {  	_ =	shalt  }
0x80: {  	_ =	shalt  }
0x81: {  	_ =	shalt  }
0x82: {  	_ =	shalt  }
0x83: {  	_ =	shalt  }
0x84: {  	_ =	shalt  }
0x85: {  	_ =	shalt  }
0x86: {  	_ =	shalt  }
0x87: {  	_ =	shalt  }
.Lfunc_end0:
.L_simem_size_0:
called_computation.2_lowered:
.L_overlay_start_0:
0x88: {  	s2 =	sld [smem:$0x3FD9]  }
0x89: {  	s3 =	sld [smem:$0x3FFE];
	_ =	sdelay $0x1  }
0x8a: {  	s1 =	srdreg.scid  }
0x8b: {  	s0 =	sand.u32 $0x1, s1  }
0x8c: {  	s17 =	sshll.u32 s0, $0xA;
	s2 =	sadd.s32 s3, s2  }
0x8d: {  	s2 =	sadd.s32 s2, s17  }
0x8e: {  	[smem:$0x3FC2] =	sst s2  }
0x8f: {  	_ = 	snop  }
0x90: {  	s2 =	sld [smem:$0x3FD0];
	(tm) =	ssettm $0x1  }
0x91: {  	s18 =	sld [smem:$0x3FFB];
	_ =	sdelay $0x3  }
0x92: {  	_ =	strace s18  }
0x93: {  	s3 =	sld [smem:$0x3FFC];
	_ =	sdelay $0x3  }
0x94: {  	_ =	strace s3  }
0x95: {  	s3 =	sld [smem:$0x3FFD];
	_ =	sdelay $0x3  }
0x96: {  	_ =	strace s3  }
0x97: {  	_ =	strace $0x8FFFFFFF  }
0x98: {  	s19 =	sld [smem:$0x3FDB];
	_ =	sdelay $0x1  }
0x99: {  	s4 =	simm.s32 $_scs_section_size  }
0x9a: {  	s5 =	simm.s32 $_size__tile_overlayer_lowered;
	s6 =	simm.s32 $_tile_overlayer_lowered  }
0x9b: {  	s22 =	simm.s32 $0x1BFF;
	s21 =	sshll.u32 s6, $0x1;
	s3 =	sadd.s32 s4, s19  }
0x9c: {  	s7 =	simm.s32 $0x0;
	s20 =	sshll.u32 s5, $0x1;
	s5 =	sadd.s32 s21, s3  }
0x9d: {  	[timem:s7], [sflag:s22] =	dma.local [hbm:s5], s20  }
0x9e: {  	_ =	swait.ge [sflag:s22], s20  }
0x9f: {  	s4 =	ssub.s32 $0x0, s20;
	[sflag:s22] =	ssyncset.done $0x0  }
0xa0: {  	[sflag:s22] =	ssyncadd.s32 s4;
	_ =	sdelay $0x1  }
0xa1: {  	s23 =	simm.s32 $0x1B8B  }
0xa2: {  	_ =	swait.ge [sflag:s23], $0x1  }
0xa3: {  	[sflag:s23] =	ssyncset.done $0x0  }
0xa4: {  	s25 =	simm.s32 $0x1B8E;
	s24 =	sld [smem:$0x3FFE];
	[sflag:s23] =	ssyncadd.s32 $0xFFFFFFFF  }
0xa5: {  	s26 =	simm.s32 $execute0_lowered;
	[smem:$0x3FD2] =	sst s25  }
0xa6: {  	s5 =	sshll.u32 s26, $0x1;
	_ =	strace $0x8000004C;
	[dreg:$0x1] =	wrdreg $0xFFFFFFFF  }
0xa7: {  	s28 =	simm.s32 $_size_execute0_lowered;
	s3 =	sadd.s32 s3, s5;
	[dreg:$0x0] =	wrdreg $0x0  }
0xa8: {  	s5 =	sshll.u32 s28, $0x1;
	[dreg:$0x2] =	wrdreg s3  }
0xa9: {  	[dreg:$0x3] =	wrdreg s5  }
0xaa: {  	[dreg:$0x4] =	wrdreg $0xC0  }
0xab: {  	_ =	task [dreg:s7], $0x5FFFF  }
0xac: {  	[dreg:$0x1] =	wrdreg $0xFFFFFFFF  }
0xad: {  	[dreg:$0x0] =	wrdreg $0x60  }
0xae: {  	[dreg:$0x2] =	wrdreg s24  }
0xaf: {  	[dreg:$0x3] =	wrdreg s2  }
0xb0: {  	[dreg:$0x4] =	wrdreg $0x90000  }
0xb1: {  	[dreg:$0x5] =	wrdreg $0x9  }
0xb2: {  	_ =	task.clear_ibuf [dreg:s7], $0x6FFFF;
	_ =	strace $0x9000004C  }
0xb3: {  	s29 =	simm.s32 $0x9;
	_ =	strace $0x8000004E  }
0xb4: {  	_ =	swait.ge [sflag:s29], $0x1  }
0xb5: {  	[sflag:s29] =	ssyncadd.s32 $0xFFFFFFFF  }
0xb6: {  	_ =	strace $0x9000004E  }
0xb7: {  	_ =	sfence  }
0xb8: {  	s30 =	sld [smem:$0x0];
	_ =	sdelay $0x2  }
0xb9: {  	s31 =	sshll.u32 s1, $0xD;
	s1 =	sshrl.u32 s1, $0x2  }
0xba: {  	s3 =	sand.u32 $0x4000, s31;
	s1 =	sadd.s32 s1, s30  }
0xbb: {  	s0 =	sor.u32 s3, s0;
	s1 =	sshll.u32 s1, $0x11  }
0xbc: {  	s0 =	sor.u32 s1, s0  }
0xbd: {  	s0 =	sadd.s32 $0x8F2B, s0  }
0xbe: {  	[sflag:s0] =	ssyncadd.remote.s32 $0x1  }
0xbf: {  	_ =	sfence.sel $0xFFFF  }
0xc0: {  	[dreg:$0x0] =	wrdreg $0xFFFFFFFF;
	(pc) =	sbr.abs _section_cstart, $3  }
0xc1: {  	[dreg:$0x1] =	wrdreg $0xFFFFFFFF  }
0xc2: {  	_ =	task.clear_ibuf [dreg:s7], $0x2FFFF;
	_ =	strace $0x9FFFFFFF  }
0xc3: {  	(tm) =	ssettm $0x7FFFFFFF  }
tec
execute0_lowered:
.L_overlay_start_1:
0x0: {  	(tag) =	ssettag $0x1  }
0x1: {  	s5 =	rddreg [dreg:$0x0]  }
0x2: {  	s1 =	srdreg.scid;
	s7 =	rddreg [dreg:$0x1]  }
0x3: {  	s0 =	stileid.u32;
	s2 =	rddreg [dreg:$0x2];
	s3 =	simm.s32 $0x0  }
0x4: {  	s15 =	simm.s32 $0x5000;
	s16 =	simm.s32 $0x1;
	s17 =	simm.s32 $0x0  }
0x5: {  	s6 =	sand.u32 $0x1, s1;
	s1 =	rddreg [dreg:$0x3];
	s9 =	smul.u32 $0x14000, s0  }
0x6: {  	s28 =	sshll.u32 s0, $0x1;
	[smem:$0x7FF] =	sst s3;
	s29 =	smul.u32 $0x50000, s0  }
0x7: {  	s31 =	sshll.u32 s0, $0x6;
	s4 =	sor.u32 s6, s28;
	s10 =	smul.u32 $0x140000, s6  }
0x8: {  	_ =	strace $0x8000004D;
	s6 =	ssub.s32 $0x2, s6;
	s8 =	smul.u32 $0x500, s4  }
0x9: {  	s4 =	sadd.s32 $0xBC00, s5;
	s12 =	sshrl.u32 s9, $0x3;
	s13 =	sshrl.u32 s6, $0x1  }
0xa: {  	s30 =	sshrl.u32 s29, $0x2;
	s9 =	sadd.s32 s9, s10;
	s12 =	sadd.s32 s12, s5  }
0xb: {  	s13 =	ssub.s32 s6, s13;
	s14 =	sadd.s32 s30, s2;
	s6 =	sor.u32 $0x1C02, s31  }
0xc: {  	s11 =	sadd.s32 s8, s5;
	s9 =	sshrl.u32 s9, $0x3;
	s7 =	sadd.s32 s7, s8  }
0xd: {  	s10 =	smax.u32 s13, $0x1;
	s13 =	simm.s32 $0x2800;
	s9 =	sadd.s32 s9, s5  }
0xe: {  	s5 =	sadd.s32 $0x33C00, s12;
	s8 =	sadd.s32 $0x1C00, s11;
	s11 =	sshrl.u32 s14, $0x3  }
0xf: {  	s12 =	simm.s32 $0x2;
	s14 =	simm.s32 $0x80;
	s9 =	sadd.s32 $0x5BC00, s9  }
.LBB2_1:
0x10: {  	[spmem:s11], [sflag:s6] =	dma.local [hbm:s5], $0x2800  }
0x11: {  	_ =	swait.ge [sflag:s12], $0x2800  }
0x12: {  	[sflag:s12] =	ssyncset.done $0x0  }
0x13: {  	[sflag:s12] =	ssyncadd.s32 $0xFFFFD800  }
0x14: {  	[tilespmem:s3], [sflag:$0x2] =	stream.linear.gather [hbm4b:s7+s3], $0x2780, $0x38;
	[tilespmem:$0x1D000] =	vst v63  }
0x15: {  	_ =	swait.ge [sflag:s12], $0x2780  }
0x16: {  	[sflag:s12] =	ssyncset.done $0x0  }
0x17: {  	[sflag:s12] =	ssyncadd.s32 $0xFFFFD880  }
0x18: {  	[tilespmem:s13], [sflag:$0x2] =	stream.linear.gather [hbm4b:s8+s3], $0x2780, $0x38;
	[tilespmem:$0x1D000] =	vst v63  }
0x19: {  	_ =	swait.ge [sflag:s12], $0x2780  }
0x1a: {  	[sflag:s12] =	ssyncset.done $0x0  }
0x1b: {  	[sflag:s12] =	ssyncadd.s32 $0xFFFFD880  }
0x1c: {  	s18 =	simm.s32 $0x0;
	[bflag:$0x0] =	sbarrier.arrive $0xFFFF  }
0x1d: {  	[tilespmem:s15], [sflag:$0x1] =	stream.indirect.gather [hbm4b:s4+s14], $0x80, s18, s14, $0xb8;
	[tilespmem:$0x1D000] =	vst v63  }
0x1e: {  	_ =	swait.ge [sflag:s16], $0x4000  }
0x1f: {  	[sflag:s16] =	ssyncset.done $0x0  }
0x20: {  	s31 =	simm.s32 $0x2800;
	[sflag:s16] =	ssyncadd.s32 $0xFFFFC000  }
0x21: {  	[spmem:s2] =	stream.indirect.scatter.add.f32 [tilespmem:s15], [sflag:$0x2], $0x80, s31, s14, $0xb8;
	[tilespmem:$0x1D000] =	vst v63  }
0x22: {  	_ =	swait.ge [sflag:s12], $0x4000  }
0x23: {  	s19 =	simm.s32 $0x400;
	s18 =	simm.s32 $0x200;
	[sflag:s12] =	ssyncset.done $0x0  }
.LBB2_2:
0x24: {  	s20 =	sshra.s32 s18, $0x2  }
0x25: {  	[sflag:s12] =	ssyncadd.s32 $0xFFFFC000;
	s18 =	smov.u32 s19;
	s21 =	sadd.s32 $0x200, s19  }
0x26: {  	[tilespmem:s15], [sflag:$0x1] =	stream.indirect.gather [hbm4b:s4+s14], $0x80, s20, s14, $0xb8;
	[tilespmem:$0x1D000] =	vst v63  }
0x27: {  	p0 =	sne.s32 s19, $0x9C00;
	_ =	swait.ge [sflag:s16], $0x4000  }
.Ltmp0:
0x28: {  	[sflag:s16] =	ssyncset.done $0x0;
	(pc) =	sbr.rel @p0 .LBB2_2-.Ltmp0, $4  }
0x29: {  	s19 =	sadd.s32 $0x2800, s20;
	[sflag:s16] =	ssyncadd.s32 $0xFFFFC000  }
0x2a: {  	[spmem:s2] =	stream.indirect.scatter.add.f32 [tilespmem:s15], [sflag:$0x2], $0x80, s19, s14, $0xb8;
	[tilespmem:$0x1D000] =	vst v63  }
0x2b: {  	_ =	swait.ge [sflag:s12], $0x4000  }
0x2c: {  	s19 =	smov.u32 s21;
	[sflag:s12] =	ssyncset.done $0x0  }
0x2d: {  	s18 =	sshra.s32 s18, $0x2;
	[sflag:s12] =	ssyncadd.s32 $0xFFFFC000  }
0x2e: {  	[tilespmem:s15], [sflag:$0x1] =	stream.indirect.gather [hbm4b:s4+s14], $0x80, s18, s14, $0xb8;
	[tilespmem:$0x1D000] =	vst v63  }
0x2f: {  	_ =	swait.ge [sflag:s16], $0x4000  }
0x30: {  	[sflag:s16] =	ssyncset.done $0x0  }
0x31: {  	s18 =	sadd.s32 $0x2800, s18;
	[sflag:s16] =	ssyncadd.s32 $0xFFFFC000  }
0x32: {  	[spmem:s2] =	stream.indirect.scatter.add.f32 [tilespmem:s15], [sflag:$0x2], $0x80, s18, s14, $0xb8;
	[tilespmem:$0x1D000] =	vst v63  }
0x33: {  	_ =	swait.ge [sflag:s12], $0x4000  }
0x34: {  	s17 =	sadd.s32 $0x1, s17;
	[sflag:s12] =	ssyncset.done $0x0  }
0x35: {  	p0 =	sne.s32 s17, s10;
	[sflag:s12] =	ssyncadd.s32 $0xFFFFC000  }
.Ltmp1:
0x36: {  	[bflag:$0x0] =	sbarrier.arrive $0xFFFF;
	(pc) =	sbr.rel @p0 .LBB2_1-.Ltmp1, $4  }
0x37: {  	[hbm:s9], [sflag:s6] =	dma.local [spmem:s11], $0x2800  }
0x38: {  	_ =	swait.ge [sflag:s12], $0x2800  }
0x39: {  	[sflag:s12] =	ssyncset.done $0x0  }
0x3a: {  	[sflag:s12] =	ssyncadd.s32 $0xFFFFD800  }
0x3b: {  	_ =	sfence.sel $0x180000  }
0x3c: {  	[bflag:$0x0] =	sbarrier.arrive $0xFFFF  }
0x3d: {  	p0 =	sne.s32 s0, $0x0;
	_ =	strace $0x9000004D  }
0x3e: {  	s0 =	sadd.s32 @!p0 $0x100000, s1;
	[bflag:$0x2] =	sbarrier.arrive $0xFFFF  }
0x3f: {  	[sflag:s0] =	ssyncadd.tile.s32 @!p0 $0x1;
	_ =	shalt  }
.Lfunc_end2:
_tile_overlayer_lowered:
.L_overlay_start_2:
0x40: {  	(tag) =	ssettag $0x2  }
0x41: {  	s0 =	rddreg [dreg:$0x0];
	s2 =	stileid.u32  }
0x42: {  	s1 =	rddreg [dreg:$0x1];
	p0 =	sne.s32 s2, $0x0  }
0x43: {  	s3 =	rddreg [dreg:$0x2];
	[bflag:$0x3] =	sbarrier.arrive $0xFFFF;
	s2 =	simm.s32 @!p0 $0x1C02  }
0x44: {  	[timem:s3], [sflag:s2] =	dma.local @!p0 [hbm:s0], s1  }
0x45: {  	s0 =	simm.s32 @!p0 $0x2  }
0x46: {  	_ =	swait.ge @!p0 [sflag:s0], s1  }
0x47: {  	s1 =	ssub.s32 @!p0 $0x0, s1;
	[sflag:s0] =	ssyncset.done @!p0 $0x0  }
0x48: {  	[sflag:s0] =	ssyncadd.s32 @!p0 s1  }
0x49: {  	[bflag:$0x3] =	sbarrier.arrive $0xFFFF  }
0x4a: {  	_ =	shalt  }

// kernel: kernel.8.cloned.1.call-start
scs
__scs_entry_jumppad:
0x0: {  	(pc) =	sbr.rel $0x88, $3  }
0x1: {  	(tag) =	ssettag $0x0;
	lr =	simm.s32 $0x1  }
0x2: {  	[smem:$0x3F9B] =	sst lr;
	_ =	strace $0xD0000000  }
0x3: {  	_ = 	snop  }
0x4: {  	_ = 	snop  }
0x5: {  	_ = 	snop  }
0x6: {  	_ = 	snop  }
0x7: {  	_ = 	snop  }
__scs_overlays_trampoline_lowered:
0x8: {  	[smem:$0x3FAA] =	sst s0  }
0x9: {  	[smem:$0x3FAB] =	sst s1  }
0xa: {  	[smem:$0x3FAC] =	sst s2  }
0xb: {  	[smem:$0x3FAD] =	sst s3  }
0xc: {  	[smem:$0x3FAE] =	sst s4  }
0xd: {  	[smem:$0x3FAF] =	sst s5  }
0xe: {  	[smem:$0x3FB0] =	sst s6  }
0xf: {  	[smem:$0x3FB1] =	sst s7  }
0x10: {  	[smem:$0x3FB2] =	sst s8  }
0x11: {  	[smem:$0x3FB3] =	sst s9;
	s0 =	simm.s32 @!p0 $0x0  }
0x12: {  	s1 =	sld [smem:$0x3F99];
	s0 =	simm.s32 @p0 $0x1  }
0x13: {  	[smem:$0x3FB4] =	sst s0;
	s0 =	simm.s32 @!p1 $0x0  }
0x14: {  	s2 =	sld [smem:$0x3F98];
	s0 =	simm.s32 @p1 $0x1  }
0x15: {  	[smem:$0x3FB5] =	sst s0;
	s0 =	simm.s32 @!p2 $0x0  }
0x16: {  	s3 =	sld [smem:$0x3FDB];
	s0 =	simm.s32 @p2 $0x1  }
0x17: {  	s4 =	simm.s32 $0x1BF5;
	[smem:$0x3FB7] =	sst s0  }
0x18: {  	s0 =	sld [smem:$0x3F9A];
	_ =	swait.ge [sflag:s4], $0x0  }
0x19: {  	s7 =	sld [smem:$0x3F9B]  }
0x1a: {  	s8 =	sadd.s32 $0xFFFFE003, lr  }
0x1b: {  	s9 =	sadd.s32 $0xFFFFFEF7, lr;
	s5 =	simm.s32 $0xFFFFFFFF;
	p2 =	slt.u32 s8, $0xFFFFF086  }
0x1c: {  	p1 =	slt.u32 s9, $0xF7A;
	s5 =	simm.s32 @!p2 $0x0  }
0x1d: {  	s5 =	simm.s32 @p1 $0x1;
	p0 =	seq.s32 s7, s2  }
0x1e: {  	s7 =	smul.u32 @!p0 $0xF7A, s2;
	p2 =	seq.s32 @!p0 s5, $0x0  }
0x1f: {  	s9 =	smul.u32 $0xF7A, s1;
	s8 =	simm.s32 @!p0 $0x1BF5;
	p2 =	por !p2, p0  }
0x20: {  	[sflag:s8] =	ssyncset.s32 @!p0 $0xFFFFF086;
	s6 =	sadd.s32 @!p0 s3, s7;
	s7 =	simm.s32 @!p0 $0x108  }
0x21: {  	s3 =	sadd.s32 s3, s9;
	s6 =	sadd.s32 @!p0 $0x88, s6;
	s7 =	simm.s32 @p2 $0x1082  }
0x22: {  	[simem:s7], [sflag:s8] =	dma.local @!p0 [hbm:s6], $0xF7A  }
0x23: {  	s9 =	sor.u32 $0xD0000000, s2;
	s6 =	simm.s32 $0x108;
	_ =	swait.ge @!p0 [sflag:s8], $0x0  }
0x24: {  	s3 =	sadd.s32 $0x88, s3;
	s6 =	simm.s32 @!p1 $0x1082;
	[sflag:s4] =	ssyncset.s32 $0xFFFFF086  }
0x25: {  	[simem:s6], [sflag:s4] =	dma.local [hbm:s3], $0xF7A  }
0x26: {  	[smem:$0x3F9B] =	sst s1;
	(tag) =	ssettag s2;
	_ =	strace s9  }
0x27: {  	s1 =	sld [smem:$0x3FAB]  }
0x28: {  	s2 =	sld [smem:$0x3FAC]  }
0x29: {  	s4 =	sld [smem:$0x3FAE]  }
0x2a: {  	p0 =	seq.s32 s5, $0x0;
	s5 =	sld [smem:$0x3FAF]  }
0x2b: {  	s6 =	sld [smem:$0x3FB0]  }
0x2c: {  	s7 =	sld [smem:$0x3FB1]  }
0x2d: {  	s3 =	simm.s32 $0x108;
	s8 =	sld [smem:$0x3FB2]  }
0x2e: {  	s3 =	simm.s32 @!p0 $0x1082;
	s9 =	sld [smem:$0x3FB3]  }
0x2f: {  	lr =	sadd.s32 s0, s3;
	s0 =	sld [smem:$0x3FAA]  }
0x30: {  	s3 =	sld [smem:$0x3FAD]  }
0x31: {  	[smem:$0x3FB6] =	sst s10  }
0x32: {  	s10 =	sld [smem:$0x3FB4];
	_ =	sdelay $0x3  }
0x33: {  	p0 =	seq.s32 s10, $0x1;
	s10 =	sld [smem:$0x3FB6];
	_ =	sdelay $0x3  }
0x34: {  	[smem:$0x3FB6] =	sst s10  }
0x35: {  	s10 =	sld [smem:$0x3FB5];
	_ =	sdelay $0x3  }
0x36: {  	p1 =	seq.s32 s10, $0x1;
	s10 =	sld [smem:$0x3FB6];
	_ =	sdelay $0x3  }
0x37: {  	[smem:$0x3FB6] =	sst s10  }
0x38: {  	s10 =	sld [smem:$0x3FB7]  }
0x39: {  	_ = 	snop;
	(pc) =	sbr.ind lr, $3  }
0x3a: {  	_ = 	snop  }
0x3b: {  	_ = 	snop  }
0x3c: {  	p2 =	seq.s32 s10, $0x1;
	s10 =	sld [smem:$0x3FB6]  }
0x3d: {  	_ =	shalt  }
0x3e: {  	_ =	shalt  }
0x3f: {  	_ =	shalt  }
0x40: {  	_ =	shalt  }
0x41: {  	_ =	shalt  }
0x42: {  	_ =	shalt  }
0x43: {  	_ =	shalt  }
0x44: {  	_ =	shalt  }
0x45: {  	_ =	shalt  }
0x46: {  	_ =	shalt  }
0x47: {  	_ =	shalt  }
0x48: {  	_ =	shalt  }
0x49: {  	_ =	shalt  }
0x4a: {  	_ =	shalt  }
0x4b: {  	_ =	shalt  }
0x4c: {  	_ =	shalt  }
0x4d: {  	_ =	shalt  }
0x4e: {  	_ =	shalt  }
0x4f: {  	_ =	shalt  }
0x50: {  	_ =	shalt  }
0x51: {  	_ =	shalt  }
0x52: {  	_ =	shalt  }
0x53: {  	_ =	shalt  }
0x54: {  	_ =	shalt  }
0x55: {  	_ =	shalt  }
0x56: {  	_ =	shalt  }
0x57: {  	_ =	shalt  }
0x58: {  	_ =	shalt  }
0x59: {  	_ =	shalt  }
0x5a: {  	_ =	shalt  }
0x5b: {  	_ =	shalt  }
0x5c: {  	_ =	shalt  }
0x5d: {  	_ =	shalt  }
0x5e: {  	_ =	shalt  }
0x5f: {  	_ =	shalt  }
0x60: {  	_ =	shalt  }
0x61: {  	_ =	shalt  }
0x62: {  	_ =	shalt  }
0x63: {  	_ =	shalt  }
0x64: {  	_ =	shalt  }
0x65: {  	_ =	shalt  }
0x66: {  	_ =	shalt  }
0x67: {  	_ =	shalt  }
0x68: {  	_ =	shalt  }
0x69: {  	_ =	shalt  }
0x6a: {  	_ =	shalt  }
0x6b: {  	_ =	shalt  }
0x6c: {  	_ =	shalt  }
0x6d: {  	_ =	shalt  }
0x6e: {  	_ =	shalt  }
0x6f: {  	_ =	shalt  }
0x70: {  	_ =	shalt  }
0x71: {  	_ =	shalt  }
0x72: {  	_ =	shalt  }
0x73: {  	_ =	shalt  }
0x74: {  	_ =	shalt  }
0x75: {  	_ =	shalt  }
0x76: {  	_ =	shalt  }
0x77: {  	_ =	shalt  }
0x78: {  	_ =	shalt  }
0x79: {  	_ =	shalt  }
0x7a: {  	_ =	shalt  }
0x7b: {  	_ =	shalt  }
0x7c: {  	_ =	shalt  }
0x7d: {  	_ =	shalt  }
0x7e: {  	_ =	shalt  }
0x7f: {  	_ =	shalt  }
0x80: {  	_ =	shalt  }
0x81: {  	_ =	shalt  }
0x82: {  	_ =	shalt  }
0x83: {  	_ =	shalt  }
0x84: {  	_ =	shalt  }
0x85: {  	_ =	shalt  }
0x86: {  	_ =	shalt  }
0x87: {  	_ =	shalt  }
.Lfunc_end0:
.L_simem_size_0:
called_computation_lowered:
.L_overlay_start_0:
0x88: {  	s2 =	sld [smem:$0x3FD9]  }
0x89: {  	s3 =	sld [smem:$0x3FFE];
	_ =	sdelay $0x1  }
0x8a: {  	s1 =	srdreg.scid  }
0x8b: {  	s0 =	sand.u32 $0x1, s1  }
0x8c: {  	s17 =	sshll.u32 s0, $0xA;
	s2 =	sadd.s32 s3, s2  }
0x8d: {  	s2 =	sadd.s32 s2, s17  }
0x8e: {  	[smem:$0x3FC2] =	sst s2  }
0x8f: {  	_ = 	snop  }
0x90: {  	s2 =	sld [smem:$0x3FD0];
	(tm) =	ssettm $0x1  }
0x91: {  	s18 =	sld [smem:$0x3FFB];
	_ =	sdelay $0x3  }
0x92: {  	_ =	strace s18  }
0x93: {  	s3 =	sld [smem:$0x3FFC];
	_ =	sdelay $0x3  }
0x94: {  	_ =	strace s3  }
0x95: {  	s3 =	sld [smem:$0x3FFD];
	_ =	sdelay $0x3  }
0x96: {  	_ =	strace s3  }
0x97: {  	_ =	strace $0x8FFFFFFF  }
0x98: {  	s19 =	sld [smem:$0x3FDB];
	_ =	sdelay $0x1  }
0x99: {  	s4 =	simm.s32 $_scs_section_size  }
0x9a: {  	s5 =	simm.s32 $_size__tile_overlayer_lowered;
	s6 =	simm.s32 $_tile_overlayer_lowered  }
0x9b: {  	s22 =	simm.s32 $0x1BFF;
	s21 =	sshll.u32 s6, $0x1;
	s3 =	sadd.s32 s4, s19  }
0x9c: {  	s7 =	simm.s32 $0x0;
	s20 =	sshll.u32 s5, $0x1;
	s5 =	sadd.s32 s21, s3  }
0x9d: {  	[timem:s7], [sflag:s22] =	dma.local [hbm:s5], s20  }
0x9e: {  	_ =	swait.ge [sflag:s22], s20  }
0x9f: {  	s4 =	ssub.s32 $0x0, s20;
	[sflag:s22] =	ssyncset.done $0x0  }
0xa0: {  	[sflag:s22] =	ssyncadd.s32 s4;
	_ =	sdelay $0x1  }
0xa1: {  	s23 =	simm.s32 $0x1B8B  }
0xa2: {  	_ =	swait.ge [sflag:s23], $0x1  }
0xa3: {  	[sflag:s23] =	ssyncset.done $0x0  }
0xa4: {  	s25 =	simm.s32 $0x1B8E;
	s24 =	sld [smem:$0x3FFE];
	[sflag:s23] =	ssyncadd.s32 $0xFFFFFFFF  }
0xa5: {  	s26 =	simm.s32 $execute0_lowered;
	[smem:$0x3FD2] =	sst s25  }
0xa6: {  	s5 =	sshll.u32 s26, $0x1;
	_ =	strace $0x80000046;
	[dreg:$0x1] =	wrdreg $0xFFFFFFFF  }
0xa7: {  	s28 =	simm.s32 $_size_execute0_lowered;
	s3 =	sadd.s32 s3, s5;
	[dreg:$0x0] =	wrdreg $0x0  }
0xa8: {  	s5 =	sshll.u32 s28, $0x1;
	[dreg:$0x2] =	wrdreg s3  }
0xa9: {  	[dreg:$0x3] =	wrdreg s5  }
0xaa: {  	[dreg:$0x4] =	wrdreg $0xC0  }
0xab: {  	_ =	task [dreg:s7], $0x5FFFF  }
0xac: {  	[dreg:$0x1] =	wrdreg $0xFFFFFFFF  }
0xad: {  	[dreg:$0x0] =	wrdreg $0x60  }
0xae: {  	[dreg:$0x2] =	wrdreg s2  }
0xaf: {  	[dreg:$0x3] =	wrdreg s24  }
0xb0: {  	[dreg:$0x4] =	wrdreg $0x50800  }
0xb1: {  	[dreg:$0x5] =	wrdreg $0x53000  }
0xb2: {  	[dreg:$0x6] =	wrdreg $0x9  }
0xb3: {  	_ =	task.clear_ibuf [dreg:s7], $0x7FFFF;
	_ =	strace $0x90000046  }
0xb4: {  	s29 =	simm.s32 $0x9;
	_ =	strace $0x80000048  }
0xb5: {  	_ =	swait.ge [sflag:s29], $0x1  }
0xb6: {  	[sflag:s29] =	ssyncadd.s32 $0xFFFFFFFF  }
0xb7: {  	_ =	strace $0x90000048  }
0xb8: {  	_ =	sfence  }
0xb9: {  	s30 =	sld [smem:$0x0];
	_ =	sdelay $0x2  }
0xba: {  	s31 =	sshll.u32 s1, $0xD;
	s1 =	sshrl.u32 s1, $0x2  }
0xbb: {  	s3 =	sand.u32 $0x4000, s31;
	s1 =	sadd.s32 s1, s30  }
0xbc: {  	s0 =	sor.u32 s3, s0;
	s1 =	sshll.u32 s1, $0x11  }
0xbd: {  	s0 =	sor.u32 s1, s0  }
0xbe: {  	s0 =	sadd.s32 $0x8F2B, s0  }
0xbf: {  	[sflag:s0] =	ssyncadd.remote.s32 $0x1  }
0xc0: {  	_ =	sfence.sel $0xFFFF  }
0xc1: {  	[dreg:$0x0] =	wrdreg $0xFFFFFFFF;
	(pc) =	sbr.abs _section_cstart, $3  }
0xc2: {  	[dreg:$0x1] =	wrdreg $0xFFFFFFFF  }
0xc3: {  	_ =	task.clear_ibuf [dreg:s7], $0x2FFFF;
	_ =	strace $0x9FFFFFFF  }
0xc4: {  	(tm) =	ssettm $0x7FFFFFFF  }
0xc5: {  	_ =	shalt  }
tec
execute0_lowered:
.L_overlay_start_1:
0x0: {  	(tag) =	ssettag $0x1  }
0x1: {  	s7 =	rddreg [dreg:$0x0]  }
0x2: {  	s5 =	rddreg [dreg:$0x1]  }
0x3: {  	s1 =	srdreg.scid;
	s2 =	rddreg [dreg:$0x2]  }
0x4: {  	s0 =	stileid.u32;
	s3 =	rddreg [dreg:$0x3]  }
0x5: {  	s4 =	simm.s32 $0x0;
	s16 =	simm.s32 $0x80;
	s17 =	simm.s32 $0x5000  }
0x6: {  	s18 =	simm.s32 $0x40;
	s19 =	simm.s32 $0x10;
	s20 =	simm.s32 $0x0  }
0x7: {  	s6 =	sand.u32 $0x1, s1;
	s28 =	sshll.u32 s0, $0x1;
	s9 =	smul.u32 $0x280, s0  }
0x8: {  	[smem:$0x7FF] =	sst s4;
	s10 =	smul.u32 $0xA00, s0;
	s31 =	sshll.u32 s0, $0x6  }
0x9: {  	s1 =	sor.u32 s6, s28;
	s12 =	sshll.u32 s6, $0x8;
	s6 =	ssub.s32 $0x2, s6  }
0xa: {  	s8 =	smul.u32 $0x500, s1;
	s1 =	rddreg [dreg:$0x4];
	_ =	strace $0x80000047  }
0xb: {  	s13 =	sshrl.u32 s9, $0x3;
	s10 =	sor.u32 s12, s10;
	s30 =	sshrl.u32 s6, $0x1  }
0xc: {  	s14 =	sadd.s32 s9, s2;
	s15 =	sadd.s32 s9, s3;
	s29 =	sadd.s32 s13, s5  }
0xd: {  	s10 =	sshrl.u32 s10, $0x3;
	s13 =	ssub.s32 s6, s30;
	s6 =	sor.u32 $0x1C01, s31  }
0xe: {  	s12 =	sshrl.u32 s14, $0x3;
	s14 =	sshrl.u32 s15, $0x3;
	s15 =	simm.s32 $0x2800  }
0xf: {  	s11 =	sadd.s32 s8, s5;
	s10 =	sadd.s32 s10, s5;
	s5 =	sadd.s32 $0xBC00, s29  }
0x10: {  	s7 =	sadd.s32 s7, s8;
	s8 =	sadd.s32 $0x1C00, s11;
	s9 =	sadd.s32 $0xC200, s10  }
0x11: {  	v0 =	vimm.f32 $1.000000000e+00;
	s10 =	sadd.s32 $0xC210, s10;
	s11 =	smax.u32 s13, $0x1;
	s13 =	simm.s32 $0x1  }
.LBB2_1:
0x12: {  	[tilespmem:$0x5000] =	vst v0  }
0x13: {  	[tilespmem:$0x5010] =	vst v0  }
0x14: {  	[tilespmem:$0x5020] =	vst v0  }
0x15: {  	[tilespmem:$0x5030] =	vst v0  }
0x16: {  	[tilespmem:$0x5040] =	vst v0  }
0x17: {  	[tilespmem:$0x5050] =	vst v0  }
0x18: {  	[tilespmem:$0x5060] =	vst v0  }
0x19: {  	[tilespmem:$0x5070] =	vst v0  }
0x1a: {  	[spmem:s12], [sflag:s6] =	dma.local [hbm:s5], $0x50  }
0x1b: {  	_ =	swait.ge [sflag:s13], $0x50  }
0x1c: {  	[sflag:s13] =	ssyncset.done $0x0  }
0x1d: {  	[sflag:s13] =	ssyncadd.s32 $0xFFFFFFB0  }
0x1e: {  	[spmem:s14], [sflag:s6] =	dma.local [hbm:s5], $0x50  }
0x1f: {  	_ =	swait.ge [sflag:s13], $0x50  }
0x20: {  	[sflag:s13] =	ssyncset.done $0x0  }
0x21: {  	[sflag:s13] =	ssyncadd.s32 $0xFFFFFFB0  }
0x22: {  	[tilespmem:s4], [sflag:$0x1] =	stream.linear.gather [hbm4b:s7+s4], $0x2780, $0x38;
	[tilespmem:$0x5580] =	vst v63  }
0x23: {  	_ =	swait.ge [sflag:s13], $0x2780  }
0x24: {  	[sflag:s13] =	ssyncset.done $0x0  }
0x25: {  	[sflag:s13] =	ssyncadd.s32 $0xFFFFD880  }
0x26: {  	[tilespmem:s15], [sflag:$0x1] =	stream.linear.gather [hbm4b:s8+s4], $0x2780, $0x38;
	[tilespmem:$0x5580] =	vst v63  }
0x27: {  	_ =	swait.ge [sflag:s13], $0x2780  }
0x28: {  	[sflag:s13] =	ssyncset.done $0x0  }
0x29: {  	[sflag:s13] =	ssyncadd.s32 $0xFFFFD880  }
0x2a: {  	s21 =	simm.s32 $0x0;
	[bflag:$0x0] =	sbarrier.arrive $0xFFFF  }
0x2b: {  	[spmem:s2] =	stream.indirect.scatter.add.f32 [tilespmem:s17], [sflag:$0x1], $0x1, s21, s16, $0xb8;
	[tilespmem:$0x5580] =	vst v63  }
0x2c: {  	_ =	swait.ge [sflag:s13], $0x80  }
0x2d: {  	[sflag:s13] =	ssyncset.done $0x0  }
0x2e: {  	s31 =	simm.s32 $0x2800;
	[sflag:s13] =	ssyncadd.s32 $0xFFFFFF80  }
0x2f: {  	[spmem:s3] =	stream.indirect.scatter.add.f32 [tilespmem:s17], [sflag:$0x1], $0x1, s31, s16, $0xb8;
	[tilespmem:$0x5580] =	vst v63  }
0x30: {  	_ =	swait.ge [sflag:s13], $0x80  }
0x31: {  	s22 =	simm.s32 $0x400;
	s21 =	simm.s32 $0x200;
	[sflag:s13] =	ssyncset.done $0x0  }
.LBB2_2:
0x32: {  	s23 =	sshra.s32 s21, $0x2  }
0x33: {  	[sflag:s13] =	ssyncadd.s32 $0xFFFFFF80;
	s21 =	smov.u32 s22;
	s24 =	sadd.s32 $0x200, s22  }
0x34: {  	[spmem:s2] =	stream.indirect.scatter.add.f32 [tilespmem:s17], [sflag:$0x1], $0x1, s23, s16, $0xb8;
	[tilespmem:$0x5580] =	vst v63  }
0x35: {  	p0 =	sne.s32 s22, $0x9C00;
	_ =	swait.ge [sflag:s13], $0x80  }
.Ltmp0:
0x36: {  	[sflag:s13] =	ssyncset.done $0x0;
	(pc) =	sbr.rel @p0 .LBB2_2-.Ltmp0, $4  }
0x37: {  	s22 =	sadd.s32 $0x2800, s23;
	[sflag:s13] =	ssyncadd.s32 $0xFFFFFF80  }
0x38: {  	[spmem:s3] =	stream.indirect.scatter.add.f32 [tilespmem:s17], [sflag:$0x1], $0x1, s22, s16, $0xb8;
	[tilespmem:$0x5580] =	vst v63  }
0x39: {  	_ =	swait.ge [sflag:s13], $0x80  }
0x3a: {  	s22 =	smov.u32 s24;
	[sflag:s13] =	ssyncset.done $0x0  }
0x3b: {  	s21 =	sshra.s32 s21, $0x2;
	[sflag:s13] =	ssyncadd.s32 $0xFFFFFF80  }
0x3c: {  	[spmem:s2] =	stream.indirect.scatter.add.f32 [tilespmem:s17], [sflag:$0x1], $0x1, s21, s16, $0xb8;
	[tilespmem:$0x5580] =	vst v63  }
0x3d: {  	_ =	swait.ge [sflag:s13], $0x80  }
0x3e: {  	[sflag:s13] =	ssyncset.done $0x0  }
0x3f: {  	s21 =	sadd.s32 $0x2800, s21;
	[sflag:s13] =	ssyncadd.s32 $0xFFFFFF80  }
0x40: {  	[spmem:s3] =	stream.indirect.scatter.add.f32 [tilespmem:s17], [sflag:$0x1], $0x1, s21, s16, $0xb8;
	[tilespmem:$0x5580] =	vst v63  }
0x41: {  	_ =	swait.ge [sflag:s13], $0x80  }
0x42: {  	[sflag:s13] =	ssyncset.done $0x0  }
0x43: {  	[sflag:s13] =	ssyncadd.s32 $0xFFFFFF80  }
0x44: {  	[bflag:$0x0] =	sbarrier.arrive $0xFFFF  }
0x45: {  	[hbm:s9@s18], [sflag:s6] =	dma.strided [spmem:s12@s19], $0x50, s13, $0x10   }
0x46: {  	s20 =	sadd.s32 $0x1, s20;
	_ =	swait.ge [sflag:s13], $0x50  }
0x47: {  	p0 =	sne.s32 s20, s11;
	[sflag:s13] =	ssyncset.done $0x0  }
.Ltmp1:
0x48: {  	[sflag:s13] =	ssyncadd.s32 $0xFFFFFFB0;
	(pc) =	sbr.rel @p0 .LBB2_1-.Ltmp1, $4  }
0x49: {  	[hbm:s10@s18], [sflag:s6] =	dma.strided [spmem:s14@s19], $0x50, s13, $0x10   }
0x4a: {  	_ =	swait.ge [sflag:s13], $0x50  }
0x4b: {  	[sflag:s13] =	ssyncset.done $0x0  }
0x4c: {  	[sflag:s13] =	ssyncadd.s32 $0xFFFFFFB0  }
0x4d: {  	_ =	sfence.sel $0x180000  }
0x4e: {  	[bflag:$0x0] =	sbarrier.arrive $0xFFFF  }
0x4f: {  	p0 =	sne.s32 s0, $0x0;
	_ =	strace $0x90000047  }
0x50: {  	s0 =	sadd.s32 @!p0 $0x100000, s1;
	[bflag:$0x2] =	sbarrier.arrive $0xFFFF  }
0x51: {  	[sflag:s0] =	ssyncadd.tile.s32 @!p0 $0x1;
	_ =	shalt  }
.Lfunc_end2:
_tile_overlayer_lowered:
.L_overlay_start_2:
0x52: {  	(tag) =	ssettag $0x2  }
0x53: {  	s0 =	rddreg [dreg:$0x0];
	s2 =	stileid.u32  }
0x54: {  	s1 =	rddreg [dreg:$0x1];
	p0 =	sne.s32 s2, $0x0  }
0x55: {  	s3 =	rddreg [dreg:$0x2];
	[bflag:$0x3] =	sbarrier.arrive $0xFFFF;
	s2 =	simm.s32 @!p0 $0x1C01  }
0x56: {  	[timem:s3], [sflag:s2] =	dma.local @!p0 [hbm:s0], s1  }
0x57: {  	s0 =	simm.s32 @!p0 $0x1  }
0x58: {  	_ =	swait.ge @!p0 [sflag:s0], s1  }
0x59: {  	s1 =	ssub.s32 @!p0 $0x0, s1;
	[sflag:s0] =	ssyncset.done @!p0 $0x0  }
0x5a: {  	[sflag:s0] =	ssyncadd.s32 @!p0 s1  }
0x5b: {  	[bflag:$0x3] =	sbarrier.arrive $0xFFFF  }
0x5c: {  	_ =	shalt  }

</sc_bundles>
